<compile_context>
chip_gen: v7x
topology: tpu7x:2x2x1
jax: 0.10.2.dev20260603
libtpu: 0.0.44.dev20260713+nightly
codegen_flags: <defaults>
</compile_context>

<pallas_src>
import functools

import jax
import jax.numpy as jnp
from jax import lax
from jax.experimental import pallas as pl
from jax.experimental.pallas import tpu as pltpu
from jax.experimental.pallas import tpu_sc as plsc

_NUM_EMB = 8192
_DIM = 256
_TOKENS = 16384
_TB = 256
_SB = 8192 // _TB
_CHUNKS = ((0, 2736), (2736, 5472), (5472, 8192))
_NW = 32
_RPW = _TOKENS // _NW
_CHUNK = 128
_LOSS_SCALE = 1.0 + 0.25


def _dist_argmin_body(x_ref, w_ref, x2_ref, idx_ref, wv_ref):
    x = x_ref[0]
    x2row = x2_ref[0]
    accv = jnp.full((_TB,), jnp.inf, jnp.float32)
    acci = jnp.zeros((_TB,), jnp.int32)
    accm = jnp.zeros((_TB,), jnp.float32)
    for lo, hi in _CHUNKS:
        w_c = w_ref[lo:hi, :]
        m2 = lax.dot_general(w_c, x, (((1,), (0,)), ((), ())),
                             preferred_element_type=jnp.float32)
        mx = jnp.max(m2, axis=0)
        m_min = (x2row[0] - mx)
        d_c = x2row - m2
        rows = lax.broadcasted_iota(jnp.int32, (hi - lo, _TB), 0).astype(jnp.float32)
        i_c = (jnp.min(jnp.where(d_c == m_min[None, :], rows,
                                 float(_NUM_EMB)), axis=0)
               + float(lo)).astype(jnp.int32)
        win = (m_min < accv) | ((m_min == accv) & (i_c < acci))
        acci = jnp.where(win, i_c, acci)
        accm = jnp.where(win, mx, accm)
        accv = jnp.where(win, m_min, accv).astype(jnp.bfloat16).astype(jnp.float32)
    idx_ref[...] = acci
    wv_ref[...] = accm


def _tc_argmin(x_bf, w_bf2, x2):
    return pl.pallas_call(
        _dist_argmin_body,
        grid=(_TOKENS // _TB,),
        in_specs=[
            pl.BlockSpec((1, _DIM, _TB), lambda i: (i // _SB, 0, i % _SB)),
            pl.BlockSpec((_NUM_EMB, _DIM), lambda i: (0, 0)),
            pl.BlockSpec((1, 1, _TB), lambda i: (i // _SB, 0, i % _SB)),
        ],
        out_specs=[
            pl.BlockSpec((_TB,), lambda i: (i,)),
            pl.BlockSpec((_TB,), lambda i: (i,)),
        ],
        out_shape=[
            jax.ShapeDtypeStruct((_TOKENS,), jnp.int32),
            jax.ShapeDtypeStruct((_TOKENS,), jnp.float32),
        ],
    )(x_bf, w_bf2, x2)


def _sc_gather(idx, w):
    mesh = plsc.VectorSubcoreMesh(core_axis_name="c", subcore_axis_name="s")

    @functools.partial(
        pl.kernel,
        mesh=mesh,
        out_type=[
            jax.ShapeDtypeStruct((_TOKENS, _DIM), jnp.float32),
            jax.ShapeDtypeStruct((_NW, 16), jnp.float32),
        ],
        scratch_types=[
            pltpu.VMEM((_CHUNK,), jnp.int32),
            pltpu.VMEM((_CHUNK, _DIM), jnp.float32),
            pltpu.VMEM((16,), jnp.float32),
            pltpu.SemaphoreType.DMA,
        ],
    )
    def body(idx_hbm, w_hbm, q_hbm, q2_hbm, idx_v, rows_v, acc_v, sem):
        wid = lax.axis_index("s") * 2 + lax.axis_index("c")
        base = wid * _RPW
        acc = jnp.zeros((16,), jnp.float32)
        for ck in range(_RPW // _CHUNK):
            row0 = base + ck * _CHUNK
            pltpu.sync_copy(idx_hbm.at[pl.ds(row0, _CHUNK)], idx_v)
            pltpu.async_copy(w_hbm.at[idx_v], rows_v, sem).wait()

            def rbody(r, a):
                for c in range(_DIM // 16):
                    v = rows_v[r, pl.ds(c * 16, 16)]
                    a = a + v * v
                return a

            acc = lax.fori_loop(0, _CHUNK, rbody, acc)
            pltpu.sync_copy(rows_v, q_hbm.at[pl.ds(row0, _CHUNK)])
        acc_v[...] = acc
        pltpu.sync_copy(acc_v, q2_hbm.at[wid])

    return body(idx, w)


def kernel(inputs, W):
    x3 = inputs.reshape(2, _DIM, 8192)
    x_bf = x3.astype(jnp.bfloat16)
    x2 = jnp.sum(jnp.transpose(inputs, (0, 2, 3, 4, 1)) ** 2,
                 axis=4).reshape(2, 1, 8192)
    w_bf2 = (2.0 * W).astype(jnp.bfloat16)
    idx, wv = _tc_argmin(x_bf, w_bf2, x2)
    q_flat, q2p = _sc_gather(idx, W)
    sse = (jnp.sum(x2, dtype=jnp.float32) - jnp.sum(wv)) + jnp.sum(q2p)
    loss = _LOSS_SCALE * (sse / (_TOKENS * _DIM))
    quantized_st = q_flat.reshape(inputs.shape)
    return quantized_st, loss, idx

# --- scband reference (transcript-rebuilt; emitter-appended) ---
"""Pipeline reference for scband-vector-quantizer-35656818491860 (READ-ONLY COPY).

The authoritative reference and input builder live on the scoring server;
editing this copy changes nothing except your own understanding.
"""

import jax, jax.numpy as jnp
import numpy as np

NUM_EMBEDDINGS = 8192
EMBEDDING_DIM = 256
COMMITMENT_COST = 0.25


def setup_inputs(seed: int = 0) -> dict:
    key = jax.random.key(seed)
    k1, k2 = jax.random.split(key)
    inputs = jax.random.normal(k1, (2, EMBEDDING_DIM, 8, 32, 32), dtype=jnp.float32)
    W = jax.random.uniform(k2, (NUM_EMBEDDINGS, EMBEDDING_DIM), dtype=jnp.float32,
                           minval=-1.0 / NUM_EMBEDDINGS, maxval=1.0 / NUM_EMBEDDINGS)
    return {"inputs": inputs, "W": W}


def reference(inputs, W):
    # inputs: [B, C, D, H, W] with C == EMBEDDING_DIM
    flat = jnp.transpose(inputs, (0, 2, 3, 4, 1)).reshape(-1, EMBEDDING_DIM)
    distances = (jnp.sum(flat ** 2, axis=1, keepdims=True)
                 + jnp.sum(W ** 2, axis=1)
                 - 2.0 * jnp.matmul(flat, W.T))
    encoding_indices = jnp.argmin(distances, axis=1)
    quantized = jnp.take(W, encoding_indices, axis=0)
    # faithful to torch: view flat [N, d] back into inputs.shape directly
    quantized = quantized.reshape(inputs.shape)
    e_latent_loss = jnp.mean((jax.lax.stop_gradient(quantized) - inputs) ** 2)
    q_latent_loss = jnp.mean((quantized - jax.lax.stop_gradient(inputs)) ** 2)
    loss = q_latent_loss + COMMITMENT_COST * e_latent_loss
    quantized_st = inputs + jax.lax.stop_gradient(quantized - inputs)
    return (quantized_st, loss, encoding_indices)

if __name__ == "__main__":
    import jax
    _d = setup_inputs()
    print(jax.jit(kernel)(*tuple(_d.values())))

</pallas_src>

<mosaic_0001>
#map = affine_map<(d0, d1) -> (0)>
#map1 = affine_map<(d0, d1) -> (0, 0)>
module attributes {stable_mosaic.version = 14 : i64} {
  func.func @body(%arg0: i32, %arg1: i32, %arg2: memref<16384xi32, #tpu.memory_space<hbm>>, %arg3: memref<8192x256xf32, #tpu.memory_space<hbm>>, %arg4: memref<16384x256xf32, #tpu.memory_space<hbm>>, %arg5: memref<32x16xf32, #tpu.memory_space<hbm>>, %arg6: memref<128xi32, #tpu.memory_space<vmem>>, %arg7: memref<128x256xf32, #tpu.memory_space<vmem>>, %arg8: memref<16xf32, #tpu.memory_space<vmem>>, %arg9: memref<!tpu.dma_semaphore, #tpu.memory_space<semaphore_mem>>) attributes {dimension_semantics = [#tpu.dimension_semantics<core_parallel>, #tpu.dimension_semantics<subcore_parallel>], iteration_bounds = array<i64: 2, 16>, scalar_prefetch = 0 : i64, scratch_operands = 4 : i64, tpu.core_type = #tpu.core_type<sc_vector_subcore>, window_params = [{transform_indices = #map}, {transform_indices = #map1}, {transform_indices = #map1}, {transform_indices = #map1}]} {
    %mul3A = arith.constant 2 : i32
    %mul3A_0 = arith.muli %arg1, %mul3A : i32
    %add3A = arith.addi %mul3A_0, %arg0 : i32
    %mul3A_1 = arith.constant 512 : i32
    %mul3A_2 = arith.muli %add3A, %mul3A_1 : i32
    %broadcast_in_dim3A = arith.constant 0.000000e+00 : f32
    %broadcast_in_dim3A_3 = vector.broadcast %broadcast_in_dim3A : f32 to vector<16xf32>
    %add3A_4 = arith.constant 0 : i32
    %add3A_5 = arith.addi %mul3A_2, %add3A_4 : i32
    "tpu.region"() ({
      %run_scoped3A = tpu.sem_alloc : memref<!tpu.dma_semaphore, #tpu.memory_space<semaphore_mem>>
      %dma_start3A_60 = tpu.memref_slice %arg2[%add3A_5] : memref<16384xi32, #tpu.memory_space<hbm>> -> memref<128xi32, #tpu.memory_space<hbm>>
      %dma_start3A_61 = tpu.memref_slice %arg2[%add3A_5] : memref<16384xi32, #tpu.memory_space<hbm>> -> memref<128xi32, #tpu.memory_space<hbm>>
      tpu.enqueue_dma source(%dma_start3A_61 : memref<128xi32, #tpu.memory_space<hbm>>) target(%arg6 : memref<128xi32, #tpu.memory_space<vmem>>) target_semaphore(%run_scoped3A : memref<!tpu.dma_semaphore, #tpu.memory_space<semaphore_mem>>)
      %dma_wait3A_62 = tpu.memref_slice %arg2[%add3A_5] : memref<16384xi32, #tpu.memory_space<hbm>> -> memref<128xi32, #tpu.memory_space<hbm>>
      %dma_wait3A_63 = tpu.memref_slice %arg2[%add3A_5] : memref<16384xi32, #tpu.memory_space<hbm>> -> memref<128xi32, #tpu.memory_space<hbm>>
      tpu.wait_dma2 semaphore(%run_scoped3A : memref<!tpu.dma_semaphore, #tpu.memory_space<semaphore_mem>>) src(%dma_wait3A_63 : memref<128xi32, #tpu.memory_space<hbm>>) dst(%arg6 : memref<128xi32, #tpu.memory_space<vmem>>)
      tpu.yield
    }) : () -> ()
    %dma_start3A = arith.constant 0 : i32
    %dma_start3A_6 = arith.constant 0 : i32
    %dma_start3A_7 = tpu.memref_slice %arg3[%dma_start3A, %dma_start3A_6] : memref<8192x256xf32, #tpu.memory_space<hbm>> -> memref<8192x256xf32, #tpu.memory_space<hbm>>
    tpu.enqueue_indirect_dma source(%dma_start3A_7 : memref<8192x256xf32, #tpu.memory_space<hbm>>) target(%arg7 : memref<128x256xf32, #tpu.memory_space<vmem>>) offsets(%arg6 : memref<128xi32, #tpu.memory_space<vmem>>) semaphore(%arg9 : memref<!tpu.dma_semaphore, #tpu.memory_space<semaphore_mem>>)
    %dma_wait3A = arith.constant 0 : i32
    %dma_wait3A_8 = arith.constant 0 : i32
    %dma_wait3A_9 = tpu.memref_slice %arg3[%dma_wait3A, %dma_wait3A_8] : memref<8192x256xf32, #tpu.memory_space<hbm>> -> memref<8192x256xf32, #tpu.memory_space<hbm>>
    tpu.wait_indirect_dma semaphore(%arg9 : memref<!tpu.dma_semaphore, #tpu.memory_space<semaphore_mem>>) src(%dma_wait3A_9 : memref<8192x256xf32, #tpu.memory_space<hbm>>) dst(%arg7 : memref<128x256xf32, #tpu.memory_space<vmem>>)
    %scan3A = arith.constant 0 : i32
    %scan3A_10 = arith.constant 128 : i32
    %scan3A_11 = arith.addi %scan3A, %scan3A_10 : i32
    %scan3A_12 = arith.constant 1 : i32
    %scan3A_13 = scf.for %scan3A_60 = %scan3A to %scan3A_11 step %scan3A_12 iter_args(%scan3A_61 = %broadcast_in_dim3A_3) -> (vector<16xf32>)  : i32 {
      %get3A = arith.index_cast %scan3A_60 : i32 to index
      %get3A_62 = arith.constant 0 : index
      %get3A_63 = tpu.vector_load %arg7[%get3A, %get3A_62] {strides = array<i32>} : memref<128x256xf32, #tpu.memory_space<vmem>>, vector<1x16xf32>,
      %get3A_64 = vector.shape_cast %get3A_63 : vector<1x16xf32> to vector<16xf32>
      %mul3A_65 = arith.mulf %get3A_64, %get3A_64 : vector<16xf32>
      %add3A_66 = arith.addf %scan3A_61, %mul3A_65 : vector<16xf32>
      %get3A_67 = arith.index_cast %scan3A_60 : i32 to index
      %get3A_68 = arith.constant 16 : index
      %get3A_69 = tpu.vector_load %arg7[%get3A_67, %get3A_68] {strides = array<i32>} : memref<128x256xf32, #tpu.memory_space<vmem>>, vector<1x16xf32>,
      %get3A_70 = vector.shape_cast %get3A_69 : vector<1x16xf32> to vector<16xf32>
      %mul3A_71 = arith.mulf %get3A_70, %get3A_70 : vector<16xf32>
      %add3A_72 = arith.addf %add3A_66, %mul3A_71 : vector<16xf32>
      %get3A_73 = arith.index_cast %scan3A_60 : i32 to index
      %get3A_74 = arith.constant 32 : index
      %get3A_75 = tpu.vector_load %arg7[%get3A_73, %get3A_74] {strides = array<i32>} : memref<128x256xf32, #tpu.memory_space<vmem>>, vector<1x16xf32>,
      %get3A_76 = vector.shape_cast %get3A_75 : vector<1x16xf32> to vector<16xf32>
      %mul3A_77 = arith.mulf %get3A_76, %get3A_76 : vector<16xf32>
      %add3A_78 = arith.addf %add3A_72, %mul3A_77 : vector<16xf32>
      %get3A_79 = arith.index_cast %scan3A_60 : i32 to index
      %get3A_80 = arith.constant 48 : index
      %get3A_81 = tpu.vector_load %arg7[%get3A_79, %get3A_80] {strides = array<i32>} : memref<128x256xf32, #tpu.memory_space<vmem>>, vector<1x16xf32>,
      %get3A_82 = vector.shape_cast %get3A_81 : vector<1x16xf32> to vector<16xf32>
      %mul3A_83 = arith.mulf %get3A_82, %get3A_82 : vector<16xf32>
      %add3A_84 = arith.addf %add3A_78, %mul3A_83 : vector<16xf32>
      %get3A_85 = arith.index_cast %scan3A_60 : i32 to index
      %get3A_86 = arith.constant 64 : index
      %get3A_87 = tpu.vector_load %arg7[%get3A_85, %get3A_86] {strides = array<i32>} : memref<128x256xf32, #tpu.memory_space<vmem>>, vector<1x16xf32>,
      %get3A_88 = vector.shape_cast %get3A_87 : vector<1x16xf32> to vector<16xf32>
      %mul3A_89 = arith.mulf %get3A_88, %get3A_88 : vector<16xf32>
      %add3A_90 = arith.addf %add3A_84, %mul3A_89 : vector<16xf32>
      %get3A_91 = arith.index_cast %scan3A_60 : i32 to index
      %get3A_92 = arith.constant 80 : index
      %get3A_93 = tpu.vector_load %arg7[%get3A_91, %get3A_92] {strides = array<i32>} : memref<128x256xf32, #tpu.memory_space<vmem>>, vector<1x16xf32>,
      %get3A_94 = vector.shape_cast %get3A_93 : vector<1x16xf32> to vector<16xf32>
      %mul3A_95 = arith.mulf %get3A_94, %get3A_94 : vector<16xf32>
      %add3A_96 = arith.addf %add3A_90, %mul3A_95 : vector<16xf32>
      %get3A_97 = arith.index_cast %scan3A_60 : i32 to index
      %get3A_98 = arith.constant 96 : index
      %get3A_99 = tpu.vector_load %arg7[%get3A_97, %get3A_98] {strides = array<i32>} : memref<128x256xf32, #tpu.memory_space<vmem>>, vector<1x16xf32>,
      %get3A_100 = vector.shape_cast %get3A_99 : vector<1x16xf32> to vector<16xf32>
      %mul3A_101 = arith.mulf %get3A_100, %get3A_100 : vector<16xf32>
      %add3A_102 = arith.addf %add3A_96, %mul3A_101 : vector<16xf32>
      %get3A_103 = arith.index_cast %scan3A_60 : i32 to index
      %get3A_104 = arith.constant 112 : index
      %get3A_105 = tpu.vector_load %arg7[%get3A_103, %get3A_104] {strides = array<i32>} : memref<128x256xf32, #tpu.memory_space<vmem>>, vector<1x16xf32>,
      %get3A_106 = vector.shape_cast %get3A_105 : vector<1x16xf32> to vector<16xf32>
      %mul3A_107 = arith.mulf %get3A_106, %get3A_106 : vector<16xf32>
      %add3A_108 = arith.addf %add3A_102, %mul3A_107 : vector<16xf32>
      %get3A_109 = arith.index_cast %scan3A_60 : i32 to index
      %get3A_110 = arith.constant 128 : index
      %get3A_111 = tpu.vector_load %arg7[%get3A_109, %get3A_110] {strides = array<i32>} : memref<128x256xf32, #tpu.memory_space<vmem>>, vector<1x16xf32>,
      %get3A_112 = vector.shape_cast %get3A_111 : vector<1x16xf32> to vector<16xf32>
      %mul3A_113 = arith.mulf %get3A_112, %get3A_112 : vector<16xf32>
      %add3A_114 = arith.addf %add3A_108, %mul3A_113 : vector<16xf32>
      %get3A_115 = arith.index_cast %scan3A_60 : i32 to index
      %get3A_116 = arith.constant 144 : index
      %get3A_117 = tpu.vector_load %arg7[%get3A_115, %get3A_116] {strides = array<i32>} : memref<128x256xf32, #tpu.memory_space<vmem>>, vector<1x16xf32>,
      %get3A_118 = vector.shape_cast %get3A_117 : vector<1x16xf32> to vector<16xf32>
      %mul3A_119 = arith.mulf %get3A_118, %get3A_118 : vector<16xf32>
      %add3A_120 = arith.addf %add3A_114, %mul3A_119 : vector<16xf32>
      %get3A_121 = arith.index_cast %scan3A_60 : i32 to index
      %get3A_122 = arith.constant 160 : index
      %get3A_123 = tpu.vector_load %arg7[%get3A_121, %get3A_122] {strides = array<i32>} : memref<128x256xf32, #tpu.memory_space<vmem>>, vector<1x16xf32>,
      %get3A_124 = vector.shape_cast %get3A_123 : vector<1x16xf32> to vector<16xf32>
      %mul3A_125 = arith.mulf %get3A_124, %get3A_124 : vector<16xf32>
      %add3A_126 = arith.addf %add3A_120, %mul3A_125 : vector<16xf32>
      %get3A_127 = arith.index_cast %scan3A_60 : i32 to index
      %get3A_128 = arith.constant 176 : index
      %get3A_129 = tpu.vector_load %arg7[%get3A_127, %get3A_128] {strides = array<i32>} : memref<128x256xf32, #tpu.memory_space<vmem>>, vector<1x16xf32>,
      %get3A_130 = vector.shape_cast %get3A_129 : vector<1x16xf32> to vector<16xf32>
      %mul3A_131 = arith.mulf %get3A_130, %get3A_130 : vector<16xf32>
      %add3A_132 = arith.addf %add3A_126, %mul3A_131 : vector<16xf32>
      %get3A_133 = arith.index_cast %scan3A_60 : i32 to index
      %get3A_134 = arith.constant 192 : index
      %get3A_135 = tpu.vector_load %arg7[%get3A_133, %get3A_134] {strides = array<i32>} : memref<128x256xf32, #tpu.memory_space<vmem>>, vector<1x16xf32>,
      %get3A_136 = vector.shape_cast %get3A_135 : vector<1x16xf32> to vector<16xf32>
      %mul3A_137 = arith.mulf %get3A_136, %get3A_136 : vector<16xf32>
      %add3A_138 = arith.addf %add3A_132, %mul3A_137 : vector<16xf32>
      %get3A_139 = arith.index_cast %scan3A_60 : i32 to index
      %get3A_140 = arith.constant 208 : index
      %get3A_141 = tpu.vector_load %arg7[%get3A_139, %get3A_140] {strides = array<i32>} : memref<128x256xf32, #tpu.memory_space<vmem>>, vector<1x16xf32>,
      %get3A_142 = vector.shape_cast %get3A_141 : vector<1x16xf32> to vector<16xf32>
      %mul3A_143 = arith.mulf %get3A_142, %get3A_142 : vector<16xf32>
      %add3A_144 = arith.addf %add3A_138, %mul3A_143 : vector<16xf32>
      %get3A_145 = arith.index_cast %scan3A_60 : i32 to index
      %get3A_146 = arith.constant 224 : index
      %get3A_147 = tpu.vector_load %arg7[%get3A_145, %get3A_146] {strides = array<i32>} : memref<128x256xf32, #tpu.memory_space<vmem>>, vector<1x16xf32>,
      %get3A_148 = vector.shape_cast %get3A_147 : vector<1x16xf32> to vector<16xf32>
      %mul3A_149 = arith.mulf %get3A_148, %get3A_148 : vector<16xf32>
      %add3A_150 = arith.addf %add3A_144, %mul3A_149 : vector<16xf32>
      %get3A_151 = arith.index_cast %scan3A_60 : i32 to index
      %get3A_152 = arith.constant 240 : index
      %get3A_153 = tpu.vector_load %arg7[%get3A_151, %get3A_152] {strides = array<i32>} : memref<128x256xf32, #tpu.memory_space<vmem>>, vector<1x16xf32>,
      %get3A_154 = vector.shape_cast %get3A_153 : vector<1x16xf32> to vector<16xf32>
      %mul3A_155 = arith.mulf %get3A_154, %get3A_154 : vector<16xf32>
      %add3A_156 = arith.addf %add3A_150, %mul3A_155 : vector<16xf32>
      scf.yield %add3A_156 : vector<16xf32>
    }
    %scan3A_14 = arith.constant 128 : i32
    "tpu.region"() ({
      %run_scoped3A = tpu.sem_alloc : memref<!tpu.dma_semaphore, #tpu.memory_space<semaphore_mem>>
      %dma_start3A_60 = arith.constant 0 : i32
      %dma_start3A_61 = tpu.memref_slice %arg4[%add3A_5, %dma_start3A_60] : memref<16384x256xf32, #tpu.memory_space<hbm>> -> memref<128x256xf32, #tpu.memory_space<hbm>>
      %dma_start3A_62 = arith.constant 0 : i32
      %dma_start3A_63 = tpu.memref_slice %arg4[%add3A_5, %dma_start3A_62] : memref<16384x256xf32, #tpu.memory_space<hbm>> -> memref<128x256xf32, #tpu.memory_space<hbm>>
      tpu.enqueue_dma source(%arg7 : memref<128x256xf32, #tpu.memory_space<vmem>>) target(%dma_start3A_63 : memref<128x256xf32, #tpu.memory_space<hbm>>) target_semaphore(%run_scoped3A : memref<!tpu.dma_semaphore, #tpu.memory_space<semaphore_mem>>)
      %dma_wait3A_64 = arith.constant 0 : i32
      %dma_wait3A_65 = tpu.memref_slice %arg4[%add3A_5, %dma_wait3A_64] : memref<16384x256xf32, #tpu.memory_space<hbm>> -> memref<128x256xf32, #tpu.memory_space<hbm>>
      %dma_wait3A_66 = arith.constant 0 : i32
      %dma_wait3A_67 = tpu.memref_slice %arg4[%add3A_5, %dma_wait3A_66] : memref<16384x256xf32, #tpu.memory_space<hbm>> -> memref<128x256xf32, #tpu.memory_space<hbm>>
      tpu.wait_dma2 semaphore(%run_scoped3A : memref<!tpu.dma_semaphore, #tpu.memory_space<semaphore_mem>>) src(%arg7 : memref<128x256xf32, #tpu.memory_space<vmem>>) dst(%dma_wait3A_67 : memref<128x256xf32, #tpu.memory_space<hbm>>)
      tpu.yield
    }) : () -> ()
    %add3A_15 = arith.constant 128 : i32
    %add3A_16 = arith.addi %mul3A_2, %add3A_15 : i32
    "tpu.region"() ({
      %run_scoped3A = tpu.sem_alloc : memref<!tpu.dma_semaphore, #tpu.memory_space<semaphore_mem>>
      %dma_start3A_60 = tpu.memref_slice %arg2[%add3A_16] : memref<16384xi32, #tpu.memory_space<hbm>> -> memref<128xi32, #tpu.memory_space<hbm>>
      %dma_start3A_61 = tpu.memref_slice %arg2[%add3A_16] : memref<16384xi32, #tpu.memory_space<hbm>> -> memref<128xi32, #tpu.memory_space<hbm>>
      tpu.enqueue_dma source(%dma_start3A_61 : memref<128xi32, #tpu.memory_space<hbm>>) target(%arg6 : memref<128xi32, #tpu.memory_space<vmem>>) target_semaphore(%run_scoped3A : memref<!tpu.dma_semaphore, #tpu.memory_space<semaphore_mem>>)
      %dma_wait3A_62 = tpu.memref_slice %arg2[%add3A_16] : memref<16384xi32, #tpu.memory_space<hbm>> -> memref<128xi32, #tpu.memory_space<hbm>>
      %dma_wait3A_63 = tpu.memref_slice %arg2[%add3A_16] : memref<16384xi32, #tpu.memory_space<hbm>> -> memref<128xi32, #tpu.memory_space<hbm>>
      tpu.wait_dma2 semaphore(%run_scoped3A : memref<!tpu.dma_semaphore, #tpu.memory_space<semaphore_mem>>) src(%dma_wait3A_63 : memref<128xi32, #tpu.memory_space<hbm>>) dst(%arg6 : memref<128xi32, #tpu.memory_space<vmem>>)
      tpu.yield
    }) : () -> ()
    %dma_start3A_17 = arith.constant 0 : i32
    %dma_start3A_18 = arith.constant 0 : i32
    %dma_start3A_19 = tpu.memref_slice %arg3[%dma_start3A_17, %dma_start3A_18] : memref<8192x256xf32, #tpu.memory_space<hbm>> -> memref<8192x256xf32, #tpu.memory_space<hbm>>
    tpu.enqueue_indirect_dma source(%dma_start3A_19 : memref<8192x256xf32, #tpu.memory_space<hbm>>) target(%arg7 : memref<128x256xf32, #tpu.memory_space<vmem>>) offsets(%arg6 : memref<128xi32, #tpu.memory_space<vmem>>) semaphore(%arg9 : memref<!tpu.dma_semaphore, #tpu.memory_space<semaphore_mem>>)
    %dma_wait3A_20 = arith.constant 0 : i32
    %dma_wait3A_21 = arith.constant 0 : i32
    %dma_wait3A_22 = tpu.memref_slice %arg3[%dma_wait3A_20, %dma_wait3A_21] : memref<8192x256xf32, #tpu.memory_space<hbm>> -> memref<8192x256xf32, #tpu.memory_space<hbm>>
    tpu.wait_indirect_dma semaphore(%arg9 : memref<!tpu.dma_semaphore, #tpu.memory_space<semaphore_mem>>) src(%dma_wait3A_22 : memref<8192x256xf32, #tpu.memory_space<hbm>>) dst(%arg7 : memref<128x256xf32, #tpu.memory_space<vmem>>)
    %scan3A_23 = arith.constant 0 : i32
    %scan3A_24 = arith.constant 128 : i32
    %scan3A_25 = arith.addi %scan3A_23, %scan3A_24 : i32
    %scan3A_26 = arith.constant 1 : i32
    %scan3A_27 = scf.for %scan3A_60 = %scan3A_23 to %scan3A_25 step %scan3A_26 iter_args(%scan3A_61 = %scan3A_13) -> (vector<16xf32>)  : i32 {
      %get3A = arith.index_cast %scan3A_60 : i32 to index
      %get3A_62 = arith.constant 0 : index
      %get3A_63 = tpu.vector_load %arg7[%get3A, %get3A_62] {strides = array<i32>} : memref<128x256xf32, #tpu.memory_space<vmem>>, vector<1x16xf32>,
      %get3A_64 = vector.shape_cast %get3A_63 : vector<1x16xf32> to vector<16xf32>
      %mul3A_65 = arith.mulf %get3A_64, %get3A_64 : vector<16xf32>
      %add3A_66 = arith.addf %scan3A_61, %mul3A_65 : vector<16xf32>
      %get3A_67 = arith.index_cast %scan3A_60 : i32 to index
      %get3A_68 = arith.constant 16 : index
      %get3A_69 = tpu.vector_load %arg7[%get3A_67, %get3A_68] {strides = array<i32>} : memref<128x256xf32, #tpu.memory_space<vmem>>, vector<1x16xf32>,
      %get3A_70 = vector.shape_cast %get3A_69 : vector<1x16xf32> to vector<16xf32>
      %mul3A_71 = arith.mulf %get3A_70, %get3A_70 : vector<16xf32>
      %add3A_72 = arith.addf %add3A_66, %mul3A_71 : vector<16xf32>
      %get3A_73 = arith.index_cast %scan3A_60 : i32 to index
      %get3A_74 = arith.constant 32 : index
      %get3A_75 = tpu.vector_load %arg7[%get3A_73, %get3A_74] {strides = array<i32>} : memref<128x256xf32, #tpu.memory_space<vmem>>, vector<1x16xf32>,
      %get3A_76 = vector.shape_cast %get3A_75 : vector<1x16xf32> to vector<16xf32>
      %mul3A_77 = arith.mulf %get3A_76, %get3A_76 : vector<16xf32>
      %add3A_78 = arith.addf %add3A_72, %mul3A_77 : vector<16xf32>
      %get3A_79 = arith.index_cast %scan3A_60 : i32 to index
      %get3A_80 = arith.constant 48 : index
      %get3A_81 = tpu.vector_load %arg7[%get3A_79, %get3A_80] {strides = array<i32>} : memref<128x256xf32, #tpu.memory_space<vmem>>, vector<1x16xf32>,
      %get3A_82 = vector.shape_cast %get3A_81 : vector<1x16xf32> to vector<16xf32>
      %mul3A_83 = arith.mulf %get3A_82, %get3A_82 : vector<16xf32>
      %add3A_84 = arith.addf %add3A_78, %mul3A_83 : vector<16xf32>
      %get3A_85 = arith.index_cast %scan3A_60 : i32 to index
      %get3A_86 = arith.constant 64 : index
      %get3A_87 = tpu.vector_load %arg7[%get3A_85, %get3A_86] {strides = array<i32>} : memref<128x256xf32, #tpu.memory_space<vmem>>, vector<1x16xf32>,
      %get3A_88 = vector.shape_cast %get3A_87 : vector<1x16xf32> to vector<16xf32>
      %mul3A_89 = arith.mulf %get3A_88, %get3A_88 : vector<16xf32>
      %add3A_90 = arith.addf %add3A_84, %mul3A_89 : vector<16xf32>
      %get3A_91 = arith.index_cast %scan3A_60 : i32 to index
      %get3A_92 = arith.constant 80 : index
      %get3A_93 = tpu.vector_load %arg7[%get3A_91, %get3A_92] {strides = array<i32>} : memref<128x256xf32, #tpu.memory_space<vmem>>, vector<1x16xf32>,
      %get3A_94 = vector.shape_cast %get3A_93 : vector<1x16xf32> to vector<16xf32>
      %mul3A_95 = arith.mulf %get3A_94, %get3A_94 : vector<16xf32>
      %add3A_96 = arith.addf %add3A_90, %mul3A_95 : vector<16xf32>
      %get3A_97 = arith.index_cast %scan3A_60 : i32 to index
      %get3A_98 = arith.constant 96 : index
      %get3A_99 = tpu.vector_load %arg7[%get3A_97, %get3A_98] {strides = array<i32>} : memref<128x256xf32, #tpu.memory_space<vmem>>, vector<1x16xf32>,
      %get3A_100 = vector.shape_cast %get3A_99 : vector<1x16xf32> to vector<16xf32>
      %mul3A_101 = arith.mulf %get3A_100, %get3A_100 : vector<16xf32>
      %add3A_102 = arith.addf %add3A_96, %mul3A_101 : vector<16xf32>
      %get3A_103 = arith.index_cast %scan3A_60 : i32 to index
      %get3A_104 = arith.constant 112 : index
      %get3A_105 = tpu.vector_load %arg7[%get3A_103, %get3A_104] {strides = array<i32>} : memref<128x256xf32, #tpu.memory_space<vmem>>, vector<1x16xf32>,
      %get3A_106 = vector.shape_cast %get3A_105 : vector<1x16xf32> to vector<16xf32>
      %mul3A_107 = arith.mulf %get3A_106, %get3A_106 : vector<16xf32>
      %add3A_108 = arith.addf %add3A_102, %mul3A_107 : vector<16xf32>
      %get3A_109 = arith.index_cast %scan3A_60 : i32 to index
      %get3A_110 = arith.constant 128 : index
      %get3A_111 = tpu.vector_load %arg7[%get3A_109, %get3A_110] {strides = array<i32>} : memref<128x256xf32, #tpu.memory_space<vmem>>, vector<1x16xf32>,
      %get3A_112 = vector.shape_cast %get3A_111 : vector<1x16xf32> to vector<16xf32>
      %mul3A_113 = arith.mulf %get3A_112, %get3A_112 : vector<16xf32>
      %add3A_114 = arith.addf %add3A_108, %mul3A_113 : vector<16xf32>
      %get3A_115 = arith.index_cast %scan3A_60 : i32 to index
      %get3A_116 = arith.constant 144 : index
      %get3A_117 = tpu.vector_load %arg7[%get3A_115, %get3A_116] {strides = array<i32>} : memref<128x256xf32, #tpu.memory_space<vmem>>, vector<1x16xf32>,
      %get3A_118 = vector.shape_cast %get3A_117 : vector<1x16xf32> to vector<16xf32>
      %mul3A_119 = arith.mulf %get3A_118, %get3A_118 : vector<16xf32>
      %add3A_120 = arith.addf %add3A_114, %mul3A_119 : vector<16xf32>
      %get3A_121 = arith.index_cast %scan3A_60 : i32 to index
      %get3A_122 = arith.constant 160 : index
      %get3A_123 = tpu.vector_load %arg7[%get3A_121, %get3A_122] {strides = array<i32>} : memref<128x256xf32, #tpu.memory_space<vmem>>, vector<1x16xf32>,
      %get3A_124 = vector.shape_cast %get3A_123 : vector<1x16xf32> to vector<16xf32>
      %mul3A_125 = arith.mulf %get3A_124, %get3A_124 : vector<16xf32>
      %add3A_126 = arith.addf %add3A_120, %mul3A_125 : vector<16xf32>
      %get3A_127 = arith.index_cast %scan3A_60 : i32 to index
      %get3A_128 = arith.constant 176 : index
      %get3A_129 = tpu.vector_load %arg7[%get3A_127, %get3A_128] {strides = array<i32>} : memref<128x256xf32, #tpu.memory_space<vmem>>, vector<1x16xf32>,
      %get3A_130 = vector.shape_cast %get3A_129 : vector<1x16xf32> to vector<16xf32>
      %mul3A_131 = arith.mulf %get3A_130, %get3A_130 : vector<16xf32>
      %add3A_132 = arith.addf %add3A_126, %mul3A_131 : vector<16xf32>
      %get3A_133 = arith.index_cast %scan3A_60 : i32 to index
      %get3A_134 = arith.constant 192 : index
      %get3A_135 = tpu.vector_load %arg7[%get3A_133, %get3A_134] {strides = array<i32>} : memref<128x256xf32, #tpu.memory_space<vmem>>, vector<1x16xf32>,
      %get3A_136 = vector.shape_cast %get3A_135 : vector<1x16xf32> to vector<16xf32>
      %mul3A_137 = arith.mulf %get3A_136, %get3A_136 : vector<16xf32>
      %add3A_138 = arith.addf %add3A_132, %mul3A_137 : vector<16xf32>
      %get3A_139 = arith.index_cast %scan3A_60 : i32 to index
      %get3A_140 = arith.constant 208 : index
      %get3A_141 = tpu.vector_load %arg7[%get3A_139, %get3A_140] {strides = array<i32>} : memref<128x256xf32, #tpu.memory_space<vmem>>, vector<1x16xf32>,
      %get3A_142 = vector.shape_cast %get3A_141 : vector<1x16xf32> to vector<16xf32>
      %mul3A_143 = arith.mulf %get3A_142, %get3A_142 : vector<16xf32>
      %add3A_144 = arith.addf %add3A_138, %mul3A_143 : vector<16xf32>
      %get3A_145 = arith.index_cast %scan3A_60 : i32 to index
      %get3A_146 = arith.constant 224 : index
      %get3A_147 = tpu.vector_load %arg7[%get3A_145, %get3A_146] {strides = array<i32>} : memref<128x256xf32, #tpu.memory_space<vmem>>, vector<1x16xf32>,
      %get3A_148 = vector.shape_cast %get3A_147 : vector<1x16xf32> to vector<16xf32>
      %mul3A_149 = arith.mulf %get3A_148, %get3A_148 : vector<16xf32>
      %add3A_150 = arith.addf %add3A_144, %mul3A_149 : vector<16xf32>
      %get3A_151 = arith.index_cast %scan3A_60 : i32 to index
      %get3A_152 = arith.constant 240 : index
      %get3A_153 = tpu.vector_load %arg7[%get3A_151, %get3A_152] {strides = array<i32>} : memref<128x256xf32, #tpu.memory_space<vmem>>, vector<1x16xf32>,
      %get3A_154 = vector.shape_cast %get3A_153 : vector<1x16xf32> to vector<16xf32>
      %mul3A_155 = arith.mulf %get3A_154, %get3A_154 : vector<16xf32>
      %add3A_156 = arith.addf %add3A_150, %mul3A_155 : vector<16xf32>
      scf.yield %add3A_156 : vector<16xf32>
    }
    %scan3A_28 = arith.constant 128 : i32
    "tpu.region"() ({
      %run_scoped3A = tpu.sem_alloc : memref<!tpu.dma_semaphore, #tpu.memory_space<semaphore_mem>>
      %dma_start3A_60 = arith.constant 0 : i32
      %dma_start3A_61 = tpu.memref_slice %arg4[%add3A_16, %dma_start3A_60] : memref<16384x256xf32, #tpu.memory_space<hbm>> -> memref<128x256xf32, #tpu.memory_space<hbm>>
      %dma_start3A_62 = arith.constant 0 : i32
      %dma_start3A_63 = tpu.memref_slice %arg4[%add3A_16, %dma_start3A_62] : memref<16384x256xf32, #tpu.memory_space<hbm>> -> memref<128x256xf32, #tpu.memory_space<hbm>>
      tpu.enqueue_dma source(%arg7 : memref<128x256xf32, #tpu.memory_space<vmem>>) target(%dma_start3A_63 : memref<128x256xf32, #tpu.memory_space<hbm>>) target_semaphore(%run_scoped3A : memref<!tpu.dma_semaphore, #tpu.memory_space<semaphore_mem>>)
      %dma_wait3A_64 = arith.constant 0 : i32
      %dma_wait3A_65 = tpu.memref_slice %arg4[%add3A_16, %dma_wait3A_64] : memref<16384x256xf32, #tpu.memory_space<hbm>> -> memref<128x256xf32, #tpu.memory_space<hbm>>
      %dma_wait3A_66 = arith.constant 0 : i32
      %dma_wait3A_67 = tpu.memref_slice %arg4[%add3A_16, %dma_wait3A_66] : memref<16384x256xf32, #tpu.memory_space<hbm>> -> memref<128x256xf32, #tpu.memory_space<hbm>>
      tpu.wait_dma2 semaphore(%run_scoped3A : memref<!tpu.dma_semaphore, #tpu.memory_space<semaphore_mem>>) src(%arg7 : memref<128x256xf32, #tpu.memory_space<vmem>>) dst(%dma_wait3A_67 : memref<128x256xf32, #tpu.memory_space<hbm>>)
      tpu.yield
    }) : () -> ()
    %add3A_29 = arith.constant 256 : i32
    %add3A_30 = arith.addi %mul3A_2, %add3A_29 : i32
    "tpu.region"() ({
      %run_scoped3A = tpu.sem_alloc : memref<!tpu.dma_semaphore, #tpu.memory_space<semaphore_mem>>
      %dma_start3A_60 = tpu.memref_slice %arg2[%add3A_30] : memref<16384xi32, #tpu.memory_space<hbm>> -> memref<128xi32, #tpu.memory_space<hbm>>
      %dma_start3A_61 = tpu.memref_slice %arg2[%add3A_30] : memref<16384xi32, #tpu.memory_space<hbm>> -> memref<128xi32, #tpu.memory_space<hbm>>
      tpu.enqueue_dma source(%dma_start3A_61 : memref<128xi32, #tpu.memory_space<hbm>>) target(%arg6 : memref<128xi32, #tpu.memory_space<vmem>>) target_semaphore(%run_scoped3A : memref<!tpu.dma_semaphore, #tpu.memory_space<semaphore_mem>>)
      %dma_wait3A_62 = tpu.memref_slice %arg2[%add3A_30] : memref<16384xi32, #tpu.memory_space<hbm>> -> memref<128xi32, #tpu.memory_space<hbm>>
      %dma_wait3A_63 = tpu.memref_slice %arg2[%add3A_30] : memref<16384xi32, #tpu.memory_space<hbm>> -> memref<128xi32, #tpu.memory_space<hbm>>
      tpu.wait_dma2 semaphore(%run_scoped3A : memref<!tpu.dma_semaphore, #tpu.memory_space<semaphore_mem>>) src(%dma_wait3A_63 : memref<128xi32, #tpu.memory_space<hbm>>) dst(%arg6 : memref<128xi32, #tpu.memory_space<vmem>>)
      tpu.yield
    }) : () -> ()
    %dma_start3A_31 = arith.constant 0 : i32
    %dma_start3A_32 = arith.constant 0 : i32
    %dma_start3A_33 = tpu.memref_slice %arg3[%dma_start3A_31, %dma_start3A_32] : memref<8192x256xf32, #tpu.memory_space<hbm>> -> memref<8192x256xf32, #tpu.memory_space<hbm>>
    tpu.enqueue_indirect_dma source(%dma_start3A_33 : memref<8192x256xf32, #tpu.memory_space<hbm>>) target(%arg7 : memref<128x256xf32, #tpu.memory_space<vmem>>) offsets(%arg6 : memref<128xi32, #tpu.memory_space<vmem>>) semaphore(%arg9 : memref<!tpu.dma_semaphore, #tpu.memory_space<semaphore_mem>>)
    %dma_wait3A_34 = arith.constant 0 : i32
    %dma_wait3A_35 = arith.constant 0 : i32
    %dma_wait3A_36 = tpu.memref_slice %arg3[%dma_wait3A_34, %dma_wait3A_35] : memref<8192x256xf32, #tpu.memory_space<hbm>> -> memref<8192x256xf32, #tpu.memory_space<hbm>>
    tpu.wait_indirect_dma semaphore(%arg9 : memref<!tpu.dma_semaphore, #tpu.memory_space<semaphore_mem>>) src(%dma_wait3A_36 : memref<8192x256xf32, #tpu.memory_space<hbm>>) dst(%arg7 : memref<128x256xf32, #tpu.memory_space<vmem>>)
    %scan3A_37 = arith.constant 0 : i32
    %scan3A_38 = arith.constant 128 : i32
    %scan3A_39 = arith.addi %scan3A_37, %scan3A_38 : i32
    %scan3A_40 = arith.constant 1 : i32
    %scan3A_41 = scf.for %scan3A_60 = %scan3A_37 to %scan3A_39 step %scan3A_40 iter_args(%scan3A_61 = %scan3A_27) -> (vector<16xf32>)  : i32 {
      %get3A = arith.index_cast %scan3A_60 : i32 to index
      %get3A_62 = arith.constant 0 : index
      %get3A_63 = tpu.vector_load %arg7[%get3A, %get3A_62] {strides = array<i32>} : memref<128x256xf32, #tpu.memory_space<vmem>>, vector<1x16xf32>,
      %get3A_64 = vector.shape_cast %get3A_63 : vector<1x16xf32> to vector<16xf32>
      %mul3A_65 = arith.mulf %get3A_64, %get3A_64 : vector<16xf32>
      %add3A_66 = arith.addf %scan3A_61, %mul3A_65 : vector<16xf32>
      %get3A_67 = arith.index_cast %scan3A_60 : i32 to index
      %get3A_68 = arith.constant 16 : index
      %get3A_69 = tpu.vector_load %arg7[%get3A_67, %get3A_68] {strides = array<i32>} : memref<128x256xf32, #tpu.memory_space<vmem>>, vector<1x16xf32>,
      %get3A_70 = vector.shape_cast %get3A_69 : vector<1x16xf32> to vector<16xf32>
      %mul3A_71 = arith.mulf %get3A_70, %get3A_70 : vector<16xf32>
      %add3A_72 = arith.addf %add3A_66, %mul3A_71 : vector<16xf32>
      %get3A_73 = arith.index_cast %scan3A_60 : i32 to index
      %get3A_74 = arith.constant 32 : index
      %get3A_75 = tpu.vector_load %arg7[%get3A_73, %get3A_74] {strides = array<i32>} : memref<128x256xf32, #tpu.memory_space<vmem>>, vector<1x16xf32>,
      %get3A_76 = vector.shape_cast %get3A_75 : vector<1x16xf32> to vector<16xf32>
      %mul3A_77 = arith.mulf %get3A_76, %get3A_76 : vector<16xf32>
      %add3A_78 = arith.addf %add3A_72, %mul3A_77 : vector<16xf32>
      %get3A_79 = arith.index_cast %scan3A_60 : i32 to index
      %get3A_80 = arith.constant 48 : index
      %get3A_81 = tpu.vector_load %arg7[%get3A_79, %get3A_80] {strides = array<i32>} : memref<128x256xf32, #tpu.memory_space<vmem>>, vector<1x16xf32>,
      %get3A_82 = vector.shape_cast %get3A_81 : vector<1x16xf32> to vector<16xf32>
      %mul3A_83 = arith.mulf %get3A_82, %get3A_82 : vector<16xf32>
      %add3A_84 = arith.addf %add3A_78, %mul3A_83 : vector<16xf32>
      %get3A_85 = arith.index_cast %scan3A_60 : i32 to index
      %get3A_86 = arith.constant 64 : index
      %get3A_87 = tpu.vector_load %arg7[%get3A_85, %get3A_86] {strides = array<i32>} : memref<128x256xf32, #tpu.memory_space<vmem>>, vector<1x16xf32>,
      %get3A_88 = vector.shape_cast %get3A_87 : vector<1x16xf32> to vector<16xf32>
      %mul3A_89 = arith.mulf %get3A_88, %get3A_88 : vector<16xf32>
      %add3A_90 = arith.addf %add3A_84, %mul3A_89 : vector<16xf32>
      %get3A_91 = arith.index_cast %scan3A_60 : i32 to index
      %get3A_92 = arith.constant 80 : index
      %get3A_93 = tpu.vector_load %arg7[%get3A_91, %get3A_92] {strides = array<i32>} : memref<128x256xf32, #tpu.memory_space<vmem>>, vector<1x16xf32>,
      %get3A_94 = vector.shape_cast %get3A_93 : vector<1x16xf32> to vector<16xf32>
      %mul3A_95 = arith.mulf %get3A_94, %get3A_94 : vector<16xf32>
      %add3A_96 = arith.addf %add3A_90, %mul3A_95 : vector<16xf32>
      %get3A_97 = arith.index_cast %scan3A_60 : i32 to index
      %get3A_98 = arith.constant 96 : index
      %get3A_99 = tpu.vector_load %arg7[%get3A_97, %get3A_98] {strides = array<i32>} : memref<128x256xf32, #tpu.memory_space<vmem>>, vector<1x16xf32>,
      %get3A_100 = vector.shape_cast %get3A_99 : vector<1x16xf32> to vector<16xf32>
      %mul3A_101 = arith.mulf %get3A_100, %get3A_100 : vector<16xf32>
      %add3A_102 = arith.addf %add3A_96, %mul3A_101 : vector<16xf32>
      %get3A_103 = arith.index_cast %scan3A_60 : i32 to index
      %get3A_104 = arith.constant 112 : index
      %get3A_105 = tpu.vector_load %arg7[%get3A_103, %get3A_104] {strides = array<i32>} : memref<128x256xf32, #tpu.memory_space<vmem>>, vector<1x16xf32>,
      %get3A_106 = vector.shape_cast %get3A_105 : vector<1x16xf32> to vector<16xf32>
      %mul3A_107 = arith.mulf %get3A_106, %get3A_106 : vector<16xf32>
      %add3A_108 = arith.addf %add3A_102, %mul3A_107 : vector<16xf32>
      %get3A_109 = arith.index_cast %scan3A_60 : i32 to index
      %get3A_110 = arith.constant 128 : index
      %get3A_111 = tpu.vector_load %arg7[%get3A_109, %get3A_110] {strides = array<i32>} : memref<128x256xf32, #tpu.memory_space<vmem>>, vector<1x16xf32>,
      %get3A_112 = vector.shape_cast %get3A_111 : vector<1x16xf32> to vector<16xf32>
      %mul3A_113 = arith.mulf %get3A_112, %get3A_112 : vector<16xf32>
      %add3A_114 = arith.addf %add3A_108, %mul3A_113 : vector<16xf32>
      %get3A_115 = arith.index_cast %scan3A_60 : i32 to index
      %get3A_116 = arith.constant 144 : index
      %get3A_117 = tpu.vector_load %arg7[%get3A_115, %get3A_116] {strides = array<i32>} : memref<128x256xf32, #tpu.memory_space<vmem>>, vector<1x16xf32>,
      %get3A_118 = vector.shape_cast %get3A_117 : vector<1x16xf32> to vector<16xf32>
      %mul3A_119 = arith.mulf %get3A_118, %get3A_118 : vector<16xf32>
      %add3A_120 = arith.addf %add3A_114, %mul3A_119 : vector<16xf32>
      %get3A_121 = arith.index_cast %scan3A_60 : i32 to index
      %get3A_122 = arith.constant 160 : index
      %get3A_123 = tpu.vector_load %arg7[%get3A_121, %get3A_122] {strides = array<i32>} : memref<128x256xf32, #tpu.memory_space<vmem>>, vector<1x16xf32>,
      %get3A_124 = vector.shape_cast %get3A_123 : vector<1x16xf32> to vector<16xf32>
      %mul3A_125 = arith.mulf %get3A_124, %get3A_124 : vector<16xf32>
      %add3A_126 = arith.addf %add3A_120, %mul3A_125 : vector<16xf32>
      %get3A_127 = arith.index_cast %scan3A_60 : i32 to index
      %get3A_128 = arith.constant 176 : index
      %get3A_129 = tpu.vector_load %arg7[%get3A_127, %get3A_128] {strides = array<i32>} : memref<128x256xf32, #tpu.memory_space<vmem>>, vector<1x16xf32>,
      %get3A_130 = vector.shape_cast %get3A_129 : vector<1x16xf32> to vector<16xf32>
      %mul3A_131 = arith.mulf %get3A_130, %get3A_130 : vector<16xf32>
      %add3A_132 = arith.addf %add3A_126, %mul3A_131 : vector<16xf32>
      %get3A_133 = arith.index_cast %scan3A_60 : i32 to index
      %get3A_134 = arith.constant 192 : index
      %get3A_135 = tpu.vector_load %arg7[%get3A_133, %get3A_134] {strides = array<i32>} : memref<128x256xf32, #tpu.memory_space<vmem>>, vector<1x16xf32>,
      %get3A_136 = vector.shape_cast %get3A_135 : vector<1x16xf32> to vector<16xf32>
      %mul3A_137 = arith.mulf %get3A_136, %get3A_136 : vector<16xf32>
      %add3A_138 = arith.addf %add3A_132, %mul3A_137 : vector<16xf32>
      %get3A_139 = arith.index_cast %scan3A_60 : i32 to index
      %get3A_140 = arith.constant 208 : index
      %get3A_141 = tpu.vector_load %arg7[%get3A_139, %get3A_140] {strides = array<i32>} : memref<128x256xf32, #tpu.memory_space<vmem>>, vector<1x16xf32>,
      %get3A_142 = vector.shape_cast %get3A_141 : vector<1x16xf32> to vector<16xf32>
      %mul3A_143 = arith.mulf %get3A_142, %get3A_142 : vector<16xf32>
      %add3A_144 = arith.addf %add3A_138, %mul3A_143 : vector<16xf32>
      %get3A_145 = arith.index_cast %scan3A_60 : i32 to index
      %get3A_146 = arith.constant 224 : index
      %get3A_147 = tpu.vector_load %arg7[%get3A_145, %get3A_146] {strides = array<i32>} : memref<128x256xf32, #tpu.memory_space<vmem>>, vector<1x16xf32>,
      %get3A_148 = vector.shape_cast %get3A_147 : vector<1x16xf32> to vector<16xf32>
      %mul3A_149 = arith.mulf %get3A_148, %get3A_148 : vector<16xf32>
      %add3A_150 = arith.addf %add3A_144, %mul3A_149 : vector<16xf32>
      %get3A_151 = arith.index_cast %scan3A_60 : i32 to index
      %get3A_152 = arith.constant 240 : index
      %get3A_153 = tpu.vector_load %arg7[%get3A_151, %get3A_152] {strides = array<i32>} : memref<128x256xf32, #tpu.memory_space<vmem>>, vector<1x16xf32>,
      %get3A_154 = vector.shape_cast %get3A_153 : vector<1x16xf32> to vector<16xf32>
      %mul3A_155 = arith.mulf %get3A_154, %get3A_154 : vector<16xf32>
      %add3A_156 = arith.addf %add3A_150, %mul3A_155 : vector<16xf32>
      scf.yield %add3A_156 : vector<16xf32>
    }
    %scan3A_42 = arith.constant 128 : i32
    "tpu.region"() ({
      %run_scoped3A = tpu.sem_alloc : memref<!tpu.dma_semaphore, #tpu.memory_space<semaphore_mem>>
      %dma_start3A_60 = arith.constant 0 : i32
      %dma_start3A_61 = tpu.memref_slice %arg4[%add3A_30, %dma_start3A_60] : memref<16384x256xf32, #tpu.memory_space<hbm>> -> memref<128x256xf32, #tpu.memory_space<hbm>>
      %dma_start3A_62 = arith.constant 0 : i32
      %dma_start3A_63 = tpu.memref_slice %arg4[%add3A_30, %dma_start3A_62] : memref<16384x256xf32, #tpu.memory_space<hbm>> -> memref<128x256xf32, #tpu.memory_space<hbm>>
      tpu.enqueue_dma source(%arg7 : memref<128x256xf32, #tpu.memory_space<vmem>>) target(%dma_start3A_63 : memref<128x256xf32, #tpu.memory_space<hbm>>) target_semaphore(%run_scoped3A : memref<!tpu.dma_semaphore, #tpu.memory_space<semaphore_mem>>)
      %dma_wait3A_64 = arith.constant 0 : i32
      %dma_wait3A_65 = tpu.memref_slice %arg4[%add3A_30, %dma_wait3A_64] : memref<16384x256xf32, #tpu.memory_space<hbm>> -> memref<128x256xf32, #tpu.memory_space<hbm>>
      %dma_wait3A_66 = arith.constant 0 : i32
      %dma_wait3A_67 = tpu.memref_slice %arg4[%add3A_30, %dma_wait3A_66] : memref<16384x256xf32, #tpu.memory_space<hbm>> -> memref<128x256xf32, #tpu.memory_space<hbm>>
      tpu.wait_dma2 semaphore(%run_scoped3A : memref<!tpu.dma_semaphore, #tpu.memory_space<semaphore_mem>>) src(%arg7 : memref<128x256xf32, #tpu.memory_space<vmem>>) dst(%dma_wait3A_67 : memref<128x256xf32, #tpu.memory_space<hbm>>)
      tpu.yield
    }) : () -> ()
    %add3A_43 = arith.constant 384 : i32
    %add3A_44 = arith.addi %mul3A_2, %add3A_43 : i32
    "tpu.region"() ({
      %run_scoped3A = tpu.sem_alloc : memref<!tpu.dma_semaphore, #tpu.memory_space<semaphore_mem>>
      %dma_start3A_60 = tpu.memref_slice %arg2[%add3A_44] : memref<16384xi32, #tpu.memory_space<hbm>> -> memref<128xi32, #tpu.memory_space<hbm>>
      %dma_start3A_61 = tpu.memref_slice %arg2[%add3A_44] : memref<16384xi32, #tpu.memory_space<hbm>> -> memref<128xi32, #tpu.memory_space<hbm>>
      tpu.enqueue_dma source(%dma_start3A_61 : memref<128xi32, #tpu.memory_space<hbm>>) target(%arg6 : memref<128xi32, #tpu.memory_space<vmem>>) target_semaphore(%run_scoped3A : memref<!tpu.dma_semaphore, #tpu.memory_space<semaphore_mem>>)
      %dma_wait3A_62 = tpu.memref_slice %arg2[%add3A_44] : memref<16384xi32, #tpu.memory_space<hbm>> -> memref<128xi32, #tpu.memory_space<hbm>>
      %dma_wait3A_63 = tpu.memref_slice %arg2[%add3A_44] : memref<16384xi32, #tpu.memory_space<hbm>> -> memref<128xi32, #tpu.memory_space<hbm>>
      tpu.wait_dma2 semaphore(%run_scoped3A : memref<!tpu.dma_semaphore, #tpu.memory_space<semaphore_mem>>) src(%dma_wait3A_63 : memref<128xi32, #tpu.memory_space<hbm>>) dst(%arg6 : memref<128xi32, #tpu.memory_space<vmem>>)
      tpu.yield
    }) : () -> ()
    %dma_start3A_45 = arith.constant 0 : i32
    %dma_start3A_46 = arith.constant 0 : i32
    %dma_start3A_47 = tpu.memref_slice %arg3[%dma_start3A_45, %dma_start3A_46] : memref<8192x256xf32, #tpu.memory_space<hbm>> -> memref<8192x256xf32, #tpu.memory_space<hbm>>
    tpu.enqueue_indirect_dma source(%dma_start3A_47 : memref<8192x256xf32, #tpu.memory_space<hbm>>) target(%arg7 : memref<128x256xf32, #tpu.memory_space<vmem>>) offsets(%arg6 : memref<128xi32, #tpu.memory_space<vmem>>) semaphore(%arg9 : memref<!tpu.dma_semaphore, #tpu.memory_space<semaphore_mem>>)
    %dma_wait3A_48 = arith.constant 0 : i32
    %dma_wait3A_49 = arith.constant 0 : i32
    %dma_wait3A_50 = tpu.memref_slice %arg3[%dma_wait3A_48, %dma_wait3A_49] : memref<8192x256xf32, #tpu.memory_space<hbm>> -> memref<8192x256xf32, #tpu.memory_space<hbm>>
    tpu.wait_indirect_dma semaphore(%arg9 : memref<!tpu.dma_semaphore, #tpu.memory_space<semaphore_mem>>) src(%dma_wait3A_50 : memref<8192x256xf32, #tpu.memory_space<hbm>>) dst(%arg7 : memref<128x256xf32, #tpu.memory_space<vmem>>)
    %scan3A_51 = arith.constant 0 : i32
    %scan3A_52 = arith.constant 128 : i32
    %scan3A_53 = arith.addi %scan3A_51, %scan3A_52 : i32
    %scan3A_54 = arith.constant 1 : i32
    %scan3A_55 = scf.for %scan3A_60 = %scan3A_51 to %scan3A_53 step %scan3A_54 iter_args(%scan3A_61 = %scan3A_41) -> (vector<16xf32>)  : i32 {
      %get3A = arith.index_cast %scan3A_60 : i32 to index
      %get3A_62 = arith.constant 0 : index
      %get3A_63 = tpu.vector_load %arg7[%get3A, %get3A_62] {strides = array<i32>} : memref<128x256xf32, #tpu.memory_space<vmem>>, vector<1x16xf32>,
      %get3A_64 = vector.shape_cast %get3A_63 : vector<1x16xf32> to vector<16xf32>
      %mul3A_65 = arith.mulf %get3A_64, %get3A_64 : vector<16xf32>
      %add3A_66 = arith.addf %scan3A_61, %mul3A_65 : vector<16xf32>
      %get3A_67 = arith.index_cast %scan3A_60 : i32 to index
      %get3A_68 = arith.constant 16 : index
      %get3A_69 = tpu.vector_load %arg7[%get3A_67, %get3A_68] {strides = array<i32>} : memref<128x256xf32, #tpu.memory_space<vmem>>, vector<1x16xf32>,
      %get3A_70 = vector.shape_cast %get3A_69 : vector<1x16xf32> to vector<16xf32>
      %mul3A_71 = arith.mulf %get3A_70, %get3A_70 : vector<16xf32>
      %add3A_72 = arith.addf %add3A_66, %mul3A_71 : vector<16xf32>
      %get3A_73 = arith.index_cast %scan3A_60 : i32 to index
      %get3A_74 = arith.constant 32 : index
      %get3A_75 = tpu.vector_load %arg7[%get3A_73, %get3A_74] {strides = array<i32>} : memref<128x256xf32, #tpu.memory_space<vmem>>, vector<1x16xf32>,
      %get3A_76 = vector.shape_cast %get3A_75 : vector<1x16xf32> to vector<16xf32>
      %mul3A_77 = arith.mulf %get3A_76, %get3A_76 : vector<16xf32>
      %add3A_78 = arith.addf %add3A_72, %mul3A_77 : vector<16xf32>
      %get3A_79 = arith.index_cast %scan3A_60 : i32 to index
      %get3A_80 = arith.constant 48 : index
      %get3A_81 = tpu.vector_load %arg7[%get3A_79, %get3A_80] {strides = array<i32>} : memref<128x256xf32, #tpu.memory_space<vmem>>, vector<1x16xf32>,
      %get3A_82 = vector.shape_cast %get3A_81 : vector<1x16xf32> to vector<16xf32>
      %mul3A_83 = arith.mulf %get3A_82, %get3A_82 : vector<16xf32>
      %add3A_84 = arith.addf %add3A_78, %mul3A_83 : vector<16xf32>
      %get3A_85 = arith.index_cast %scan3A_60 : i32 to index
      %get3A_86 = arith.constant 64 : index
      %get3A_87 = tpu.vector_load %arg7[%get3A_85, %get3A_86] {strides = array<i32>} : memref<128x256xf32, #tpu.memory_space<vmem>>, vector<1x16xf32>,
      %get3A_88 = vector.shape_cast %get3A_87 : vector<1x16xf32> to vector<16xf32>
      %mul3A_89 = arith.mulf %get3A_88, %get3A_88 : vector<16xf32>
      %add3A_90 = arith.addf %add3A_84, %mul3A_89 : vector<16xf32>
      %get3A_91 = arith.index_cast %scan3A_60 : i32 to index
      %get3A_92 = arith.constant 80 : index
      %get3A_93 = tpu.vector_load %arg7[%get3A_91, %get3A_92] {strides = array<i32>} : memref<128x256xf32, #tpu.memory_space<vmem>>, vector<1x16xf32>,
      %get3A_94 = vector.shape_cast %get3A_93 : vector<1x16xf32> to vector<16xf32>
      %mul3A_95 = arith.mulf %get3A_94, %get3A_94 : vector<16xf32>
      %add3A_96 = arith.addf %add3A_90, %mul3A_95 : vector<16xf32>
      %get3A_97 = arith.index_cast %scan3A_60 : i32 to index
      %get3A_98 = arith.constant 96 : index
      %get3A_99 = tpu.vector_load %arg7[%get3A_97, %get3A_98] {strides = array<i32>} : memref<128x256xf32, #tpu.memory_space<vmem>>, vector<1x16xf32>,
      %get3A_100 = vector.shape_cast %get3A_99 : vector<1x16xf32> to vector<16xf32>
      %mul3A_101 = arith.mulf %get3A_100, %get3A_100 : vector<16xf32>
      %add3A_102 = arith.addf %add3A_96, %mul3A_101 : vector<16xf32>
      %get3A_103 = arith.index_cast %scan3A_60 : i32 to index
      %get3A_104 = arith.constant 112 : index
      %get3A_105 = tpu.vector_load %arg7[%get3A_103, %get3A_104] {strides = array<i32>} : memref<128x256xf32, #tpu.memory_space<vmem>>, vector<1x16xf32>,
      %get3A_106 = vector.shape_cast %get3A_105 : vector<1x16xf32> to vector<16xf32>
      %mul3A_107 = arith.mulf %get3A_106, %get3A_106 : vector<16xf32>
      %add3A_108 = arith.addf %add3A_102, %mul3A_107 : vector<16xf32>
      %get3A_109 = arith.index_cast %scan3A_60 : i32 to index
      %get3A_110 = arith.constant 128 : index
      %get3A_111 = tpu.vector_load %arg7[%get3A_109, %get3A_110] {strides = array<i32>} : memref<128x256xf32, #tpu.memory_space<vmem>>, vector<1x16xf32>,
      %get3A_112 = vector.shape_cast %get3A_111 : vector<1x16xf32> to vector<16xf32>
      %mul3A_113 = arith.mulf %get3A_112, %get3A_112 : vector<16xf32>
      %add3A_114 = arith.addf %add3A_108, %mul3A_113 : vector<16xf32>
      %get3A_115 = arith.index_cast %scan3A_60 : i32 to index
      %get3A_116 = arith.constant 144 : index
      %get3A_117 = tpu.vector_load %arg7[%get3A_115, %get3A_116] {strides = array<i32>} : memref<128x256xf32, #tpu.memory_space<vmem>>, vector<1x16xf32>,
      %get3A_118 = vector.shape_cast %get3A_117 : vector<1x16xf32> to vector<16xf32>
      %mul3A_119 = arith.mulf %get3A_118, %get3A_118 : vector<16xf32>
      %add3A_120 = arith.addf %add3A_114, %mul3A_119 : vector<16xf32>
      %get3A_121 = arith.index_cast %scan3A_60 : i32 to index
      %get3A_122 = arith.constant 160 : index
      %get3A_123 = tpu.vector_load %arg7[%get3A_121, %get3A_122] {strides = array<i32>} : memref<128x256xf32, #tpu.memory_space<vmem>>, vector<1x16xf32>,
      %get3A_124 = vector.shape_cast %get3A_123 : vector<1x16xf32> to vector<16xf32>
      %mul3A_125 = arith.mulf %get3A_124, %get3A_124 : vector<16xf32>
      %add3A_126 = arith.addf %add3A_120, %mul3A_125 : vector<16xf32>
      %get3A_127 = arith.index_cast %scan3A_60 : i32 to index
      %get3A_128 = arith.constant 176 : index
      %get3A_129 = tpu.vector_load %arg7[%get3A_127, %get3A_128] {strides = array<i32>} : memref<128x256xf32, #tpu.memory_space<vmem>>, vector<1x16xf32>,
      %get3A_130 = vector.shape_cast %get3A_129 : vector<1x16xf32> to vector<16xf32>
      %mul3A_131 = arith.mulf %get3A_130, %get3A_130 : vector<16xf32>
      %add3A_132 = arith.addf %add3A_126, %mul3A_131 : vector<16xf32>
      %get3A_133 = arith.index_cast %scan3A_60 : i32 to index
      %get3A_134 = arith.constant 192 : index
      %get3A_135 = tpu.vector_load %arg7[%get3A_133, %get3A_134] {strides = array<i32>} : memref<128x256xf32, #tpu.memory_space<vmem>>, vector<1x16xf32>,
      %get3A_136 = vector.shape_cast %get3A_135 : vector<1x16xf32> to vector<16xf32>
      %mul3A_137 = arith.mulf %get3A_136, %get3A_136 : vector<16xf32>
      %add3A_138 = arith.addf %add3A_132, %mul3A_137 : vector<16xf32>
      %get3A_139 = arith.index_cast %scan3A_60 : i32 to index
      %get3A_140 = arith.constant 208 : index
      %get3A_141 = tpu.vector_load %arg7[%get3A_139, %get3A_140] {strides = array<i32>} : memref<128x256xf32, #tpu.memory_space<vmem>>, vector<1x16xf32>,
      %get3A_142 = vector.shape_cast %get3A_141 : vector<1x16xf32> to vector<16xf32>
      %mul3A_143 = arith.mulf %get3A_142, %get3A_142 : vector<16xf32>
      %add3A_144 = arith.addf %add3A_138, %mul3A_143 : vector<16xf32>
      %get3A_145 = arith.index_cast %scan3A_60 : i32 to index
      %get3A_146 = arith.constant 224 : index
      %get3A_147 = tpu.vector_load %arg7[%get3A_145, %get3A_146] {strides = array<i32>} : memref<128x256xf32, #tpu.memory_space<vmem>>, vector<1x16xf32>,
      %get3A_148 = vector.shape_cast %get3A_147 : vector<1x16xf32> to vector<16xf32>
      %mul3A_149 = arith.mulf %get3A_148, %get3A_148 : vector<16xf32>
      %add3A_150 = arith.addf %add3A_144, %mul3A_149 : vector<16xf32>
      %get3A_151 = arith.index_cast %scan3A_60 : i32 to index
      %get3A_152 = arith.constant 240 : index
      %get3A_153 = tpu.vector_load %arg7[%get3A_151, %get3A_152] {strides = array<i32>} : memref<128x256xf32, #tpu.memory_space<vmem>>, vector<1x16xf32>,
      %get3A_154 = vector.shape_cast %get3A_153 : vector<1x16xf32> to vector<16xf32>
      %mul3A_155 = arith.mulf %get3A_154, %get3A_154 : vector<16xf32>
      %add3A_156 = arith.addf %add3A_150, %mul3A_155 : vector<16xf32>
      scf.yield %add3A_156 : vector<16xf32>
    }
    %scan3A_56 = arith.constant 128 : i32
    "tpu.region"() ({
      %run_scoped3A = tpu.sem_alloc : memref<!tpu.dma_semaphore, #tpu.memory_space<semaphore_mem>>
      %dma_start3A_60 = arith.constant 0 : i32
      %dma_start3A_61 = tpu.memref_slice %arg4[%add3A_44, %dma_start3A_60] : memref<16384x256xf32, #tpu.memory_space<hbm>> -> memref<128x256xf32, #tpu.memory_space<hbm>>
      %dma_start3A_62 = arith.constant 0 : i32
      %dma_start3A_63 = tpu.memref_slice %arg4[%add3A_44, %dma_start3A_62] : memref<16384x256xf32, #tpu.memory_space<hbm>> -> memref<128x256xf32, #tpu.memory_space<hbm>>
      tpu.enqueue_dma source(%arg7 : memref<128x256xf32, #tpu.memory_space<vmem>>) target(%dma_start3A_63 : memref<128x256xf32, #tpu.memory_space<hbm>>) target_semaphore(%run_scoped3A : memref<!tpu.dma_semaphore, #tpu.memory_space<semaphore_mem>>)
      %dma_wait3A_64 = arith.constant 0 : i32
      %dma_wait3A_65 = tpu.memref_slice %arg4[%add3A_44, %dma_wait3A_64] : memref<16384x256xf32, #tpu.memory_space<hbm>> -> memref<128x256xf32, #tpu.memory_space<hbm>>
      %dma_wait3A_66 = arith.constant 0 : i32
      %dma_wait3A_67 = tpu.memref_slice %arg4[%add3A_44, %dma_wait3A_66] : memref<16384x256xf32, #tpu.memory_space<hbm>> -> memref<128x256xf32, #tpu.memory_space<hbm>>
      tpu.wait_dma2 semaphore(%run_scoped3A : memref<!tpu.dma_semaphore, #tpu.memory_space<semaphore_mem>>) src(%arg7 : memref<128x256xf32, #tpu.memory_space<vmem>>) dst(%dma_wait3A_67 : memref<128x256xf32, #tpu.memory_space<hbm>>)
      tpu.yield
    }) : () -> ()
    %swap3A = arith.constant 0 : index
    %swap3A_57 = tpu.vector_load %arg8[%swap3A] {strides = array<i32>} : memref<16xf32, #tpu.memory_space<vmem>>, vector<16xf32>,
    %swap3A_58 = vector.shape_cast %swap3A_57 : vector<16xf32> to vector<16xf32>
    %swap3A_59 = vector.shape_cast %scan3A_55 : vector<16xf32> to vector<16xf32>
    tpu.vector_store %arg8[%swap3A], %swap3A_59 {strides = array<i32>} : memref<16xf32, #tpu.memory_space<vmem>>, vector<16xf32>,
    "tpu.region"() ({
      %run_scoped3A = tpu.sem_alloc : memref<!tpu.dma_semaphore, #tpu.memory_space<semaphore_mem>>
      %dma_start3A_60 = arith.constant 0 : i32
      %dma_start3A_61 = tpu.memref_slice %arg5[%add3A, %dma_start3A_60] : memref<32x16xf32, #tpu.memory_space<hbm>> -> memref<1x16xf32, #tpu.memory_space<hbm>>
      %dma_start3A_62 = tpu.memref_squeeze %dma_start3A_61 : memref<1x16xf32, #tpu.memory_space<hbm>> -> memref<16xf32, #tpu.memory_space<hbm>>
      %dma_start3A_63 = arith.constant 0 : i32
      %dma_start3A_64 = tpu.memref_slice %arg5[%add3A, %dma_start3A_63] : memref<32x16xf32, #tpu.memory_space<hbm>> -> memref<1x16xf32, #tpu.memory_space<hbm>>
      %dma_start3A_65 = tpu.memref_squeeze %dma_start3A_64 : memref<1x16xf32, #tpu.memory_space<hbm>> -> memref<16xf32, #tpu.memory_space<hbm>>
      tpu.enqueue_dma source(%arg8 : memref<16xf32, #tpu.memory_space<vmem>>) target(%dma_start3A_65 : memref<16xf32, #tpu.memory_space<hbm>>) target_semaphore(%run_scoped3A : memref<!tpu.dma_semaphore, #tpu.memory_space<semaphore_mem>>)
      %dma_wait3A_66 = arith.constant 0 : i32
      %dma_wait3A_67 = tpu.memref_slice %arg5[%add3A, %dma_wait3A_66] : memref<32x16xf32, #tpu.memory_space<hbm>> -> memref<1x16xf32, #tpu.memory_space<hbm>>
      %dma_wait3A_68 = tpu.memref_squeeze %dma_wait3A_67 : memref<1x16xf32, #tpu.memory_space<hbm>> -> memref<16xf32, #tpu.memory_space<hbm>>
      %dma_wait3A_69 = arith.constant 0 : i32
      %dma_wait3A_70 = tpu.memref_slice %arg5[%add3A, %dma_wait3A_69] : memref<32x16xf32, #tpu.memory_space<hbm>> -> memref<1x16xf32, #tpu.memory_space<hbm>>
      %dma_wait3A_71 = tpu.memref_squeeze %dma_wait3A_70 : memref<1x16xf32, #tpu.memory_space<hbm>> -> memref<16xf32, #tpu.memory_space<hbm>>
      tpu.wait_dma2 semaphore(%run_scoped3A : memref<!tpu.dma_semaphore, #tpu.memory_space<semaphore_mem>>) src(%arg8 : memref<16xf32, #tpu.memory_space<vmem>>) dst(%dma_wait3A_71 : memref<16xf32, #tpu.memory_space<hbm>>)
      tpu.yield
    }) : () -> ()
    return
  }
}

module attributes {stable_mosaic.version = 14 : i64} {
  func.func @_dist_argmin_body(%arg0: i32, %arg1: memref<1x256x256xbf16, #tpu.memory_space<vmem>>, %arg2: memref<8192x256xbf16, #tpu.memory_space<vmem>>, %arg3: memref<1x1x256xf32, #tpu.memory_space<vmem>>, %arg4: memref<256xi32, #tpu.memory_space<vmem>>, %arg5: memref<256xf32, #tpu.memory_space<vmem>>) attributes {dimension_semantics = [#tpu.dimension_semantics<arbitrary>], iteration_bounds = array<i64: 64>, scalar_prefetch = 0 : i64, scratch_operands = 0 : i64, tpu.core_type = #tpu.core_type<tc>, window_params = [{transform_indices = @transform_0, window_bounds = array<i64: 1, 256, 256>}, {pipeline_mode = #tpu.pipeline_mode<synchronous>, transform_indices = @transform_1, window_bounds = array<i64: 8192, 256>}, {transform_indices = @transform_2, window_bounds = array<i64: 1, 1, 256>}, {transform_indices = @transform_3, window_bounds = array<i64: 256>}, {transform_indices = @transform_4, window_bounds = array<i64: 256>}]} {
    %get3A = arith.constant 0 : index
    %get3A_0 = arith.constant 0 : index
    %get3A_1 = arith.constant 0 : index
    %get3A_2 = vector.load %arg1[%get3A, %get3A_0, %get3A_1] : memref<1x256x256xbf16, #tpu.memory_space<vmem>>, vector<1x256x256xbf16>
    %get3A_3 = vector.shape_cast %get3A_2 : vector<1x256x256xbf16> to vector<256x256xbf16>
    %get3A_4 = arith.constant 0 : index
    %get3A_5 = arith.constant 0 : index
    %get3A_6 = arith.constant 0 : index
    %get3A_7 = vector.load %arg3[%get3A_4, %get3A_5, %get3A_6] : memref<1x1x256xf32, #tpu.memory_space<vmem>>, vector<1x1x256xf32>
    %get3A_8 = vector.shape_cast %get3A_7 : vector<1x1x256xf32> to vector<1x256xf32>
    %broadcast_in_dim3A = arith.constant 0x7F800000 : f32
    %broadcast_in_dim3A_9 = vector.broadcast %broadcast_in_dim3A : f32 to vector<256xf32>
    %broadcast_in_dim3A_10 = arith.constant 0 : i32
    %broadcast_in_dim3A_11 = vector.broadcast %broadcast_in_dim3A_10 : i32 to vector<256xi32>
    %broadcast_in_dim3A_12 = arith.constant 0.000000e+00 : f32
    %broadcast_in_dim3A_13 = vector.broadcast %broadcast_in_dim3A_12 : f32 to vector<256xf32>
    %get3A_14 = arith.constant 0 : index
    %get3A_15 = arith.constant 0 : index
    %get3A_16 = vector.load %arg2[%get3A_14, %get3A_15] : memref<8192x256xbf16, #tpu.memory_space<vmem>>, vector<2736x256xbf16>
    %dot_general3A = arith.constant dense<0.000000e+00> : vector<2736x256xf32>
    %dot_general3A_17 = tpu.matmul %get3A_16, %get3A_3, %dot_general3A {dimension_numbers = #tpu.dot_dimension_numbers<[1], [0], [0], [1], [0, 0, 1, 1], [], []>, transpose_lhs_hint = false} : vector<2736x256xbf16>, vector<256x256xbf16>, vector<2736x256xf32> -> vector<2736x256xf32>
    %reduce_max3A = arith.constant dense<0xFF800000> : vector<256xf32>
    %reduce_max3A_18 = vector.multi_reduction <maximumf>, %dot_general3A_17, %reduce_max3A [0] : vector<2736x256xf32> to vector<256xf32>
    %squeeze3A = vector.shape_cast %get3A_8 : vector<1x256xf32> to vector<256xf32>
    %sub3A = arith.subf %squeeze3A, %reduce_max3A_18 : vector<256xf32>
    %sub3A_19 = vector.broadcast %get3A_8 : vector<1x256xf32> to vector<2736x256xf32>
    %sub3A_20 = arith.subf %sub3A_19, %dot_general3A_17 : vector<2736x256xf32>
    %iota3A = tpu.iota {dimensions = array<i32: 0>} : vector<2736x256xi32>
    %convert_element_type3A = arith.sitofp %iota3A : vector<2736x256xi32> to vector<2736x256xf32>
    %broadcast_in_dim3A_21 = vector.shape_cast %sub3A : vector<256xf32> to vector<1x256xf32>
    %eq3A = vector.broadcast %broadcast_in_dim3A_21 : vector<1x256xf32> to vector<2736x256xf32>
    %eq3A_22 = arith.cmpf oeq, %sub3A_20, %eq3A : vector<2736x256xf32>
    %jit3A = arith.constant 8.192000e+03 : f32
    %broadcast_in_dim3A_23 = vector.broadcast %jit3A : f32 to vector<2736x256xf32>
    %select_n3A = arith.select %eq3A_22, %convert_element_type3A, %broadcast_in_dim3A_23 : vector<2736x256xi1>, vector<2736x256xf32>
    %reduce_min3A = arith.constant dense<0x7F800000> : vector<256xf32>
    %reduce_min3A_24 = vector.multi_reduction <minimumf>, %select_n3A, %reduce_min3A [0] : vector<2736x256xf32> to vector<256xf32>
    %add3A = arith.constant 0.000000e+00 : f32
    %add3A_25 = vector.broadcast %add3A : f32 to vector<256xf32>
    %add3A_26 = arith.addf %reduce_min3A_24, %add3A_25 : vector<256xf32>
    %convert_element_type3A_27 = arith.fptosi %add3A_26 : vector<256xf32> to vector<256xi32>
    %lt3A = arith.cmpf olt, %sub3A, %broadcast_in_dim3A_9 : vector<256xf32>
    %eq3A_28 = arith.cmpf oeq, %sub3A, %broadcast_in_dim3A_9 : vector<256xf32>
    %lt3A_29 = arith.cmpi slt, %convert_element_type3A_27, %broadcast_in_dim3A_11 : vector<256xi32>
    %and3A = arith.andi %eq3A_28, %lt3A_29 : vector<256xi1>
    %or3A = arith.ori %lt3A, %and3A : vector<256xi1>
    %select_n3A_30 = arith.select %or3A, %convert_element_type3A_27, %broadcast_in_dim3A_11 : vector<256xi1>, vector<256xi32>
    %select_n3A_31 = arith.select %or3A, %reduce_max3A_18, %broadcast_in_dim3A_13 : vector<256xi1>, vector<256xf32>
    %select_n3A_32 = arith.select %or3A, %sub3A, %broadcast_in_dim3A_9 : vector<256xi1>, vector<256xf32>
    %convert_element_type3A_33 = arith.truncf %select_n3A_32 : vector<256xf32> to vector<256xbf16>
    %convert_element_type3A_34 = arith.extf %convert_element_type3A_33 : vector<256xbf16> to vector<256xf32>
    %get3A_35 = arith.constant 2736 : index
    %get3A_36 = arith.constant 0 : index
    %get3A_37 = vector.load %arg2[%get3A_35, %get3A_36] : memref<8192x256xbf16, #tpu.memory_space<vmem>>, vector<2736x256xbf16>
    %dot_general3A_38 = arith.constant dense<0.000000e+00> : vector<2736x256xf32>
    %dot_general3A_39 = tpu.matmul %get3A_37, %get3A_3, %dot_general3A_38 {dimension_numbers = #tpu.dot_dimension_numbers<[1], [0], [0], [1], [0, 0, 1, 1], [], []>, transpose_lhs_hint = false} : vector<2736x256xbf16>, vector<256x256xbf16>, vector<2736x256xf32> -> vector<2736x256xf32>
    %reduce_max3A_40 = arith.constant dense<0xFF800000> : vector<256xf32>
    %reduce_max3A_41 = vector.multi_reduction <maximumf>, %dot_general3A_39, %reduce_max3A_40 [0] : vector<2736x256xf32> to vector<256xf32>
    %squeeze3A_42 = vector.shape_cast %get3A_8 : vector<1x256xf32> to vector<256xf32>
    %sub3A_43 = arith.subf %squeeze3A_42, %reduce_max3A_41 : vector<256xf32>
    %sub3A_44 = vector.broadcast %get3A_8 : vector<1x256xf32> to vector<2736x256xf32>
    %sub3A_45 = arith.subf %sub3A_44, %dot_general3A_39 : vector<2736x256xf32>
    %iota3A_46 = tpu.iota {dimensions = array<i32: 0>} : vector<2736x256xi32>
    %convert_element_type3A_47 = arith.sitofp %iota3A_46 : vector<2736x256xi32> to vector<2736x256xf32>
    %broadcast_in_dim3A_48 = vector.shape_cast %sub3A_43 : vector<256xf32> to vector<1x256xf32>
    %eq3A_49 = vector.broadcast %broadcast_in_dim3A_48 : vector<1x256xf32> to vector<2736x256xf32>
    %eq3A_50 = arith.cmpf oeq, %sub3A_45, %eq3A_49 : vector<2736x256xf32>
    %jit3A_51 = arith.constant 8.192000e+03 : f32
    %broadcast_in_dim3A_52 = vector.broadcast %jit3A_51 : f32 to vector<2736x256xf32>
    %select_n3A_53 = arith.select %eq3A_50, %convert_element_type3A_47, %broadcast_in_dim3A_52 : vector<2736x256xi1>, vector<2736x256xf32>
    %reduce_min3A_54 = arith.constant dense<0x7F800000> : vector<256xf32>
    %reduce_min3A_55 = vector.multi_reduction <minimumf>, %select_n3A_53, %reduce_min3A_54 [0] : vector<2736x256xf32> to vector<256xf32>
    %add3A_56 = arith.constant 2.736000e+03 : f32
    %add3A_57 = vector.broadcast %add3A_56 : f32 to vector<256xf32>
    %add3A_58 = arith.addf %reduce_min3A_55, %add3A_57 : vector<256xf32>
    %convert_element_type3A_59 = arith.fptosi %add3A_58 : vector<256xf32> to vector<256xi32>
    %lt3A_60 = arith.cmpf olt, %sub3A_43, %convert_element_type3A_34 : vector<256xf32>
    %eq3A_61 = arith.cmpf oeq, %sub3A_43, %convert_element_type3A_34 : vector<256xf32>
    %lt3A_62 = arith.cmpi slt, %convert_element_type3A_59, %select_n3A_30 : vector<256xi32>
    %and3A_63 = arith.andi %eq3A_61, %lt3A_62 : vector<256xi1>
    %or3A_64 = arith.ori %lt3A_60, %and3A_63 : vector<256xi1>
    %select_n3A_65 = arith.select %or3A_64, %convert_element_type3A_59, %select_n3A_30 : vector<256xi1>, vector<256xi32>
    %select_n3A_66 = arith.select %or3A_64, %reduce_max3A_41, %select_n3A_31 : vector<256xi1>, vector<256xf32>
    %select_n3A_67 = arith.select %or3A_64, %sub3A_43, %convert_element_type3A_34 : vector<256xi1>, vector<256xf32>
    %convert_element_type3A_68 = arith.truncf %select_n3A_67 : vector<256xf32> to vector<256xbf16>
    %convert_element_type3A_69 = arith.extf %convert_element_type3A_68 : vector<256xbf16> to vector<256xf32>
    %get3A_70 = arith.constant 5472 : index
    %get3A_71 = arith.constant 0 : index
    %get3A_72 = vector.load %arg2[%get3A_70, %get3A_71] : memref<8192x256xbf16, #tpu.memory_space<vmem>>, vector<2720x256xbf16>
    %dot_general3A_73 = arith.constant dense<0.000000e+00> : vector<2720x256xf32>
    %dot_general3A_74 = tpu.matmul %get3A_72, %get3A_3, %dot_general3A_73 {dimension_numbers = #tpu.dot_dimension_numbers<[1], [0], [0], [1], [0, 0, 1, 1], [], []>, transpose_lhs_hint = false} : vector<2720x256xbf16>, vector<256x256xbf16>, vector<2720x256xf32> -> vector<2720x256xf32>
    %reduce_max3A_75 = arith.constant dense<0xFF800000> : vector<256xf32>
    %reduce_max3A_76 = vector.multi_reduction <maximumf>, %dot_general3A_74, %reduce_max3A_75 [0] : vector<2720x256xf32> to vector<256xf32>
    %squeeze3A_77 = vector.shape_cast %get3A_8 : vector<1x256xf32> to vector<256xf32>
    %sub3A_78 = arith.subf %squeeze3A_77, %reduce_max3A_76 : vector<256xf32>
    %sub3A_79 = vector.broadcast %get3A_8 : vector<1x256xf32> to vector<2720x256xf32>
    %sub3A_80 = arith.subf %sub3A_79, %dot_general3A_74 : vector<2720x256xf32>
    %iota3A_81 = tpu.iota {dimensions = array<i32: 0>} : vector<2720x256xi32>
    %convert_element_type3A_82 = arith.sitofp %iota3A_81 : vector<2720x256xi32> to vector<2720x256xf32>
    %broadcast_in_dim3A_83 = vector.shape_cast %sub3A_78 : vector<256xf32> to vector<1x256xf32>
    %eq3A_84 = vector.broadcast %broadcast_in_dim3A_83 : vector<1x256xf32> to vector<2720x256xf32>
    %eq3A_85 = arith.cmpf oeq, %sub3A_80, %eq3A_84 : vector<2720x256xf32>
    %jit3A_86 = arith.constant 8.192000e+03 : f32
    %broadcast_in_dim3A_87 = vector.broadcast %jit3A_86 : f32 to vector<2720x256xf32>
    %select_n3A_88 = arith.select %eq3A_85, %convert_element_type3A_82, %broadcast_in_dim3A_87 : vector<2720x256xi1>, vector<2720x256xf32>
    %reduce_min3A_89 = arith.constant dense<0x7F800000> : vector<256xf32>
    %reduce_min3A_90 = vector.multi_reduction <minimumf>, %select_n3A_88, %reduce_min3A_89 [0] : vector<2720x256xf32> to vector<256xf32>
    %add3A_91 = arith.constant 5.472000e+03 : f32
    %add3A_92 = vector.broadcast %add3A_91 : f32 to vector<256xf32>
    %add3A_93 = arith.addf %reduce_min3A_90, %add3A_92 : vector<256xf32>
    %convert_element_type3A_94 = arith.fptosi %add3A_93 : vector<256xf32> to vector<256xi32>
    %lt3A_95 = arith.cmpf olt, %sub3A_78, %convert_element_type3A_69 : vector<256xf32>
    %eq3A_96 = arith.cmpf oeq, %sub3A_78, %convert_element_type3A_69 : vector<256xf32>
    %lt3A_97 = arith.cmpi slt, %convert_element_type3A_94, %select_n3A_65 : vector<256xi32>
    %and3A_98 = arith.andi %eq3A_96, %lt3A_97 : vector<256xi1>
    %or3A_99 = arith.ori %lt3A_95, %and3A_98 : vector<256xi1>
    %select_n3A_100 = arith.select %or3A_99, %convert_element_type3A_94, %select_n3A_65 : vector<256xi1>, vector<256xi32>
    %select_n3A_101 = arith.select %or3A_99, %reduce_max3A_76, %select_n3A_66 : vector<256xi1>, vector<256xf32>
    %swap3A = arith.constant 0 : index
    %swap3A_102 = vector.load %arg4[%swap3A] : memref<256xi32, #tpu.memory_space<vmem>>, vector<256xi32>
    tpu.vector_store %arg4[%swap3A], %select_n3A_100 {strides = array<i32>} : memref<256xi32, #tpu.memory_space<vmem>>, vector<256xi32>,
    %swap3A_103 = arith.constant 0 : index
    %swap3A_104 = vector.load %arg5[%swap3A_103] : memref<256xf32, #tpu.memory_space<vmem>>, vector<256xf32>
    tpu.vector_store %arg5[%swap3A_103], %select_n3A_101 {strides = array<i32>} : memref<256xf32, #tpu.memory_space<vmem>>, vector<256xf32>,
    return
  }
  func.func @transform_0(%arg0: i32) -> (i32, i32, i32) {
    %jit3A = arith.constant 32 : i32
    %div3A = arith.divsi %arg0, %jit3A : i32
    %sign3A = arith.constant 0 : i32
    %sign3A_0 = arith.cmpi sgt, %arg0, %sign3A : i32
    %sign3A_1 = arith.extui %sign3A_0 : i1 to i32
    %sign3A_2 = arith.constant 0 : i32
    %sign3A_3 = arith.cmpi slt, %arg0, %sign3A_2 : i32
    %sign3A_4 = arith.extui %sign3A_3 : i1 to i32
    %sign3A_5 = arith.subi %sign3A_1, %sign3A_4 : i32
    %sign3A_6 = arith.constant 0 : i32
    %sign3A_7 = arith.cmpi sgt, %jit3A, %sign3A_6 : i32
    %sign3A_8 = arith.extui %sign3A_7 : i1 to i32
    %sign3A_9 = arith.constant 0 : i32
    %sign3A_10 = arith.cmpi slt, %jit3A, %sign3A_9 : i32
    %sign3A_11 = arith.extui %sign3A_10 : i1 to i32
    %sign3A_12 = arith.subi %sign3A_8, %sign3A_11 : i32
    %ne3A = arith.cmpi ne, %sign3A_5, %sign3A_12 : i32
    %rem3A = arith.remsi %arg0, %jit3A : i32
    %ne3A_13 = arith.constant 0 : i32
    %ne3A_14 = arith.cmpi ne, %rem3A, %ne3A_13 : i32
    %and3A = arith.andi %ne3A, %ne3A_14 : i1
    %sub3A = arith.constant 1 : i32
    %sub3A_15 = arith.subi %div3A, %sub3A : i32
    %select_n3A = arith.select %and3A, %sub3A_15, %div3A : i32
    %jit3A_16 = arith.constant 32 : i32
    %eq3A = arith.constant 0 : i32
    %eq3A_17 = arith.cmpi eq, %jit3A_16, %eq3A : i32
    %jit3A_18 = arith.constant 1 : i32
    %select_n3A_19 = arith.select %eq3A_17, %jit3A_18, %jit3A_16 : i32
    %rem3A_20 = arith.remsi %arg0, %select_n3A_19 : i32
    %ne3A_21 = arith.constant 0 : i32
    %ne3A_22 = arith.cmpi ne, %rem3A_20, %ne3A_21 : i32
    %lt3A = arith.constant 0 : i32
    %lt3A_23 = arith.cmpi slt, %rem3A_20, %lt3A : i32
    %lt3A_24 = arith.constant 0 : i32
    %lt3A_25 = arith.cmpi slt, %select_n3A_19, %lt3A_24 : i32
    %ne3A_26 = arith.xori %lt3A_23, %lt3A_25 : i1
    %and3A_27 = arith.andi %ne3A_26, %ne3A_22 : i1
    %add3A = arith.addi %rem3A_20, %select_n3A_19 : i32
    %select_n3A_28 = arith.select %and3A_27, %add3A, %rem3A_20 : i32
    %c0_i32 = arith.constant 0 : i32
    %c0_i32_29 = arith.constant 0 : i32
    return %select_n3A, %c0_i32, %select_n3A_28 : i32, i32, i32
  }
  func.func @transform_1(%arg0: i32) -> (i32, i32) {
    %c0_i32 = arith.constant 0 : i32
    %c0_i32_0 = arith.constant 0 : i32
    %c0_i32_1 = arith.constant 0 : i32
    return %c0_i32, %c0_i32_0 : i32, i32
  }
  func.func @transform_2(%arg0: i32) -> (i32, i32, i32) {
    %jit3A = arith.constant 32 : i32
    %div3A = arith.divsi %arg0, %jit3A : i32
    %sign3A = arith.constant 0 : i32
    %sign3A_0 = arith.cmpi sgt, %arg0, %sign3A : i32
    %sign3A_1 = arith.extui %sign3A_0 : i1 to i32
    %sign3A_2 = arith.constant 0 : i32
    %sign3A_3 = arith.cmpi slt, %arg0, %sign3A_2 : i32
    %sign3A_4 = arith.extui %sign3A_3 : i1 to i32
    %sign3A_5 = arith.subi %sign3A_1, %sign3A_4 : i32
    %sign3A_6 = arith.constant 0 : i32
    %sign3A_7 = arith.cmpi sgt, %jit3A, %sign3A_6 : i32
    %sign3A_8 = arith.extui %sign3A_7 : i1 to i32
    %sign3A_9 = arith.constant 0 : i32
    %sign3A_10 = arith.cmpi slt, %jit3A, %sign3A_9 : i32
    %sign3A_11 = arith.extui %sign3A_10 : i1 to i32
    %sign3A_12 = arith.subi %sign3A_8, %sign3A_11 : i32
    %ne3A = arith.cmpi ne, %sign3A_5, %sign3A_12 : i32
    %rem3A = arith.remsi %arg0, %jit3A : i32
    %ne3A_13 = arith.constant 0 : i32
    %ne3A_14 = arith.cmpi ne, %rem3A, %ne3A_13 : i32
    %and3A = arith.andi %ne3A, %ne3A_14 : i1
    %sub3A = arith.constant 1 : i32
    %sub3A_15 = arith.subi %div3A, %sub3A : i32
    %select_n3A = arith.select %and3A, %sub3A_15, %div3A : i32
    %jit3A_16 = arith.constant 32 : i32
    %eq3A = arith.constant 0 : i32
    %eq3A_17 = arith.cmpi eq, %jit3A_16, %eq3A : i32
    %jit3A_18 = arith.constant 1 : i32
    %select_n3A_19 = arith.select %eq3A_17, %jit3A_18, %jit3A_16 : i32
    %rem3A_20 = arith.remsi %arg0, %select_n3A_19 : i32
    %ne3A_21 = arith.constant 0 : i32
    %ne3A_22 = arith.cmpi ne, %rem3A_20, %ne3A_21 : i32
    %lt3A = arith.constant 0 : i32
    %lt3A_23 = arith.cmpi slt, %rem3A_20, %lt3A : i32
    %lt3A_24 = arith.constant 0 : i32
    %lt3A_25 = arith.cmpi slt, %select_n3A_19, %lt3A_24 : i32
    %ne3A_26 = arith.xori %lt3A_23, %lt3A_25 : i1
    %and3A_27 = arith.andi %ne3A_26, %ne3A_22 : i1
    %add3A = arith.addi %rem3A_20, %select_n3A_19 : i32
    %select_n3A_28 = arith.select %and3A_27, %add3A, %rem3A_20 : i32
    %c0_i32 = arith.constant 0 : i32
    %c0_i32_29 = arith.constant 0 : i32
    return %select_n3A, %c0_i32, %select_n3A_28 : i32, i32, i32
  }
  func.func @transform_3(%arg0: i32) -> i32 {
    %c0_i32 = arith.constant 0 : i32
    return %arg0 : i32
  }
  func.func @transform_4(%arg0: i32) -> i32 {
    %c0_i32 = arith.constant 0 : i32
    return %arg0 : i32
  }
}

</mosaic_0001>

<sc_bundles>
// kernel: kernel.4.cloned.1.call-start
scs
__scs_entry_jumppad:
0x0: {  	(pc) =	sbr.rel $0x88, $3  }
0x1: {  	(tag) =	ssettag $0x0;
	lr =	simm.s32 $0x1  }
0x2: {  	[smem:$0x3F9F] =	sst lr;
	_ =	strace $0xD0000000  }
0x3: {  	_ = 	snop  }
0x4: {  	_ = 	snop  }
0x5: {  	_ = 	snop  }
0x6: {  	_ = 	snop  }
0x7: {  	_ = 	snop  }
__scs_overlays_trampoline_lowered:
0x8: {  	[smem:$0x3FAE] =	sst s0  }
0x9: {  	[smem:$0x3FAF] =	sst s1  }
0xa: {  	[smem:$0x3FB0] =	sst s2  }
0xb: {  	[smem:$0x3FB1] =	sst s3  }
0xc: {  	[smem:$0x3FB2] =	sst s4  }
0xd: {  	[smem:$0x3FB3] =	sst s5  }
0xe: {  	[smem:$0x3FB4] =	sst s6  }
0xf: {  	[smem:$0x3FB5] =	sst s7  }
0x10: {  	[smem:$0x3FB6] =	sst s8  }
0x11: {  	[smem:$0x3FB7] =	sst s9;
	s0 =	simm.s32 @!p0 $0x0  }
0x12: {  	s1 =	sld [smem:$0x3F9D];
	s0 =	simm.s32 @p0 $0x1  }
0x13: {  	[smem:$0x3FB8] =	sst s0;
	s0 =	simm.s32 @!p1 $0x0  }
0x14: {  	s2 =	sld [smem:$0x3F9C];
	s0 =	simm.s32 @p1 $0x1  }
0x15: {  	[smem:$0x3FB9] =	sst s0;
	s0 =	simm.s32 @!p2 $0x0  }
0x16: {  	s3 =	sld [smem:$0x3FDB];
	s0 =	simm.s32 @p2 $0x1  }
0x17: {  	s4 =	simm.s32 $0x1BF5;
	[smem:$0x3FBB] =	sst s0  }
0x18: {  	s0 =	sld [smem:$0x3F9E];
	_ =	swait.ge [sflag:s4], $0x0  }
0x19: {  	s7 =	sld [smem:$0x3F9F]  }
0x1a: {  	s8 =	sadd.s32 $0xFFFFE003, lr  }
0x1b: {  	s9 =	sadd.s32 $0xFFFFFEF7, lr;
	s5 =	simm.s32 $0xFFFFFFFF;
	p2 =	slt.u32 s8, $0xFFFFF086  }
0x1c: {  	p1 =	slt.u32 s9, $0xF7A;
	s5 =	simm.s32 @!p2 $0x0  }
0x1d: {  	s5 =	simm.s32 @p1 $0x1;
	p0 =	seq.s32 s7, s2  }
0x1e: {  	s7 =	smul.u32 @!p0 $0xF7A, s2;
	p2 =	seq.s32 @!p0 s5, $0x0  }
0x1f: {  	s9 =	smul.u32 $0xF7A, s1;
	s8 =	simm.s32 @!p0 $0x1BF5;
	p2 =	por !p2, p0  }
0x20: {  	[sflag:s8] =	ssyncset.s32 @!p0 $0xFFFFF086;
	s6 =	sadd.s32 @!p0 s3, s7;
	s7 =	simm.s32 @!p0 $0x108  }
0x21: {  	s3 =	sadd.s32 s3, s9;
	s6 =	sadd.s32 @!p0 $0x88, s6;
	s7 =	simm.s32 @p2 $0x1082  }
0x22: {  	[simem:s7], [sflag:s8] =	dma.local @!p0 [hbm:s6], $0xF7A  }
0x23: {  	s9 =	sor.u32 $0xD0000000, s2;
	s6 =	simm.s32 $0x108;
	_ =	swait.ge @!p0 [sflag:s8], $0x0  }
0x24: {  	s3 =	sadd.s32 $0x88, s3;
	s6 =	simm.s32 @!p1 $0x1082;
	[sflag:s4] =	ssyncset.s32 $0xFFFFF086  }
0x25: {  	[simem:s6], [sflag:s4] =	dma.local [hbm:s3], $0xF7A  }
0x26: {  	[smem:$0x3F9F] =	sst s1;
	(tag) =	ssettag s2;
	_ =	strace s9  }
0x27: {  	s1 =	sld [smem:$0x3FAF]  }
0x28: {  	s2 =	sld [smem:$0x3FB0]  }
0x29: {  	s4 =	sld [smem:$0x3FB2]  }
0x2a: {  	p0 =	seq.s32 s5, $0x0;
	s5 =	sld [smem:$0x3FB3]  }
0x2b: {  	s6 =	sld [smem:$0x3FB4]  }
0x2c: {  	s7 =	sld [smem:$0x3FB5]  }
0x2d: {  	s3 =	simm.s32 $0x108;
	s8 =	sld [smem:$0x3FB6]  }
0x2e: {  	s3 =	simm.s32 @!p0 $0x1082;
	s9 =	sld [smem:$0x3FB7]  }
0x2f: {  	lr =	sadd.s32 s0, s3;
	s0 =	sld [smem:$0x3FAE]  }
0x30: {  	s3 =	sld [smem:$0x3FB1]  }
0x31: {  	[smem:$0x3FBA] =	sst s10  }
0x32: {  	s10 =	sld [smem:$0x3FB8];
	_ =	sdelay $0x3  }
0x33: {  	p0 =	seq.s32 s10, $0x1;
	s10 =	sld [smem:$0x3FBA];
	_ =	sdelay $0x3  }
0x34: {  	[smem:$0x3FBA] =	sst s10  }
0x35: {  	s10 =	sld [smem:$0x3FB9];
	_ =	sdelay $0x3  }
0x36: {  	p1 =	seq.s32 s10, $0x1;
	s10 =	sld [smem:$0x3FBA];
	_ =	sdelay $0x3  }
0x37: {  	[smem:$0x3FBA] =	sst s10  }
0x38: {  	s10 =	sld [smem:$0x3FBB]  }
0x39: {  	_ = 	snop;
	(pc) =	sbr.ind lr, $3  }
0x3a: {  	_ = 	snop  }
0x3b: {  	_ = 	snop  }
0x3c: {  	p2 =	seq.s32 s10, $0x1;
	s10 =	sld [smem:$0x3FBA]  }
0x3d: {  	_ =	shalt  }
0x3e: {  	_ =	shalt  }
0x3f: {  	_ =	shalt  }
0x40: {  	_ =	shalt  }
0x41: {  	_ =	shalt  }
0x42: {  	_ =	shalt  }
0x43: {  	_ =	shalt  }
0x44: {  	_ =	shalt  }
0x45: {  	_ =	shalt  }
0x46: {  	_ =	shalt  }
0x47: {  	_ =	shalt  }
0x48: {  	_ =	shalt  }
0x49: {  	_ =	shalt  }
0x4a: {  	_ =	shalt  }
0x4b: {  	_ =	shalt  }
0x4c: {  	_ =	shalt  }
0x4d: {  	_ =	shalt  }
0x4e: {  	_ =	shalt  }
0x4f: {  	_ =	shalt  }
0x50: {  	_ =	shalt  }
0x51: {  	_ =	shalt  }
0x52: {  	_ =	shalt  }
0x53: {  	_ =	shalt  }
0x54: {  	_ =	shalt  }
0x55: {  	_ =	shalt  }
0x56: {  	_ =	shalt  }
0x57: {  	_ =	shalt  }
0x58: {  	_ =	shalt  }
0x59: {  	_ =	shalt  }
0x5a: {  	_ =	shalt  }
0x5b: {  	_ =	shalt  }
0x5c: {  	_ =	shalt  }
0x5d: {  	_ =	shalt  }
0x5e: {  	_ =	shalt  }
0x5f: {  	_ =	shalt  }
0x60: {  	_ =	shalt  }
0x61: {  	_ =	shalt  }
0x62: {  	_ =	shalt  }
0x63: {  	_ =	shalt  }
0x64: {  	_ =	shalt  }
0x65: {  	_ =	shalt  }
0x66: {  	_ =	shalt  }
0x67: {  	_ =	shalt  }
0x68: {  	_ =	shalt  }
0x69: {  	_ =	shalt  }
0x6a: {  	_ =	shalt  }
0x6b: {  	_ =	shalt  }
0x6c: {  	_ =	shalt  }
0x6d: {  	_ =	shalt  }
0x6e: {  	_ =	shalt  }
0x6f: {  	_ =	shalt  }
0x70: {  	_ =	shalt  }
0x71: {  	_ =	shalt  }
0x72: {  	_ =	shalt  }
0x73: {  	_ =	shalt  }
0x74: {  	_ =	shalt  }
0x75: {  	_ =	shalt  }
0x76: {  	_ =	shalt  }
0x77: {  	_ =	shalt  }
0x78: {  	_ =	shalt  }
0x79: {  	_ =	shalt  }
0x7a: {  	_ =	shalt  }
0x7b: {  	_ =	shalt  }
0x7c: {  	_ =	shalt  }
0x7d: {  	_ =	shalt  }
0x7e: {  	_ =	shalt  }
0x7f: {  	_ =	shalt  }
0x80: {  	_ =	shalt  }
0x81: {  	_ =	shalt  }
0x82: {  	_ =	shalt  }
0x83: {  	_ =	shalt  }
0x84: {  	_ =	shalt  }
0x85: {  	_ =	shalt  }
0x86: {  	_ =	shalt  }
0x87: {  	_ =	shalt  }
.Lfunc_end0:
.L_simem_size_0:
called_computation_lowered:
.L_overlay_start_0:
0x88: {  	s2 =	sld [smem:$0x3FD9]  }
0x89: {  	s3 =	sld [smem:$0x3FFE];
	_ =	sdelay $0x1  }
0x8a: {  	s1 =	srdreg.scid  }
0x8b: {  	s0 =	sand.u32 $0x1, s1  }
0x8c: {  	s14 =	sshll.u32 s0, $0xA;
	s2 =	sadd.s32 s3, s2  }
0x8d: {  	s2 =	sadd.s32 s2, s14  }
0x8e: {  	[smem:$0x3FC6] =	sst s2  }
0x8f: {  	_ = 	snop  }
0x90: {  	s2 =	sld [smem:$0x3FD0];
	_ =	sdelay $0x2  }
0x91: {  	s4 =	simm.s32 $0xA;
	s5 =	simm.s32 $0x10;
	s15 =	sld [smem:$0x3FC8]  }
0x92: {  	[smem:s5], [sflag:s4] =	dma.local [hbm:s2], $0x1  }
0x93: {  	_ =	swait.eq [sflag:s4], $0x1  }
0x94: {  	[sflag:s4] =	ssyncset.done $0x0  }
0x95: {  	s16 =	sld [smem:$0x10];
	[sflag:s4] =	ssyncadd.s32 $0xFFFFFFFF  }
0x96: {  	s17 =	sld [smem:$0x12];
	(tm) =	ssettm $0x1  }
0x97: {  	s18 =	sld [smem:$0x3FFB];
	_ =	sdelay $0x3  }
0x98: {  	_ =	strace s18  }
0x99: {  	s5 =	sld [smem:$0x3FFC];
	_ =	sdelay $0x3  }
0x9a: {  	_ =	strace s5  }
0x9b: {  	s5 =	sld [smem:$0x3FFD];
	_ =	sdelay $0x3  }
0x9c: {  	_ =	strace s5  }
0x9d: {  	_ =	strace $0x8FFFFFFF  }
0x9e: {  	s19 =	sld [smem:$0x3FDB];
	_ =	sdelay $0x1  }
0x9f: {  	s6 =	simm.s32 $_scs_section_size  }
0xa0: {  	s7 =	simm.s32 $_size__tile_overlayer_lowered;
	s8 =	simm.s32 $_tile_overlayer_lowered  }
0xa1: {  	s22 =	simm.s32 $0x1BFF;
	s21 =	sshll.u32 s8, $0x1;
	s5 =	sadd.s32 s6, s19  }
0xa2: {  	s9 =	simm.s32 $0x0;
	s20 =	sshll.u32 s7, $0x1;
	s7 =	sadd.s32 s21, s5  }
0xa3: {  	[timem:s9], [sflag:s22] =	dma.local [hbm:s7], s20  }
0xa4: {  	_ =	swait.ge [sflag:s22], s20  }
0xa5: {  	s6 =	ssub.s32 $0x0, s20;
	[sflag:s22] =	ssyncset.done $0x0  }
0xa6: {  	[sflag:s22] =	ssyncadd.s32 s6;
	_ =	sdelay $0x1  }
0xa7: {  	s23 =	simm.s32 $0x1B8B  }
0xa8: {  	_ =	swait.ge [sflag:s23], $0x1  }
0xa9: {  	[sflag:s23] =	ssyncset.done $0x0  }
0xaa: {  	s25 =	simm.s32 $0x1B8E;
	s24 =	sld [smem:$0x3FFE];
	[sflag:s23] =	ssyncadd.s32 $0xFFFFFFFF  }
0xab: {  	s26 =	simm.s32 $execute0_lowered;
	[smem:$0x3FD2] =	sst s25  }
0xac: {  	s7 =	sshll.u32 s26, $0x1;
	_ =	strace $0x80000046;
	[dreg:$0x1] =	wrdreg $0xFFFFFFFF  }
0xad: {  	s28 =	simm.s32 $_size_execute0_lowered;
	s5 =	sadd.s32 s5, s7;
	[dreg:$0x0] =	wrdreg $0x0  }
0xae: {  	s7 =	sshll.u32 s28, $0x1;
	[dreg:$0x2] =	wrdreg s5  }
0xaf: {  	[dreg:$0x3] =	wrdreg s7  }
0xb0: {  	[dreg:$0x4] =	wrdreg $0xC0  }
0xb1: {  	_ =	task [dreg:s9], $0x5FFFF  }
0xb2: {  	[dreg:$0x1] =	wrdreg $0xFFFFFFFF  }
0xb3: {  	[dreg:$0x0] =	wrdreg $0x60  }
0xb4: {  	[dreg:$0x2] =	wrdreg s17  }
0xb5: {  	[dreg:$0x3] =	wrdreg s15  }
0xb6: {  	[dreg:$0x4] =	wrdreg s16  }
0xb7: {  	[dreg:$0x5] =	wrdreg s24  }
0xb8: {  	[dreg:$0x6] =	wrdreg $0x9  }
0xb9: {  	_ =	task.clear_ibuf [dreg:s9], $0x7FFFF;
	_ =	strace $0x90000046  }
0xba: {  	s29 =	simm.s32 $0x9;
	_ =	strace $0x80000048  }
0xbb: {  	_ =	swait.ge [sflag:s29], $0x1  }
0xbc: {  	[sflag:s29] =	ssyncadd.s32 $0xFFFFFFFF  }
0xbd: {  	_ =	strace $0x90000048  }
0xbe: {  	_ =	sfence  }
0xbf: {  	s30 =	sld [smem:$0x0];
	_ =	sdelay $0x2  }
0xc0: {  	s31 =	sshll.u32 s1, $0xD;
	s1 =	sshrl.u32 s1, $0x2  }
0xc1: {  	s3 =	sand.u32 $0x4000, s31;
	s1 =	sadd.s32 s1, s30  }
0xc2: {  	s0 =	sor.u32 s3, s0;
	s1 =	sshll.u32 s1, $0x11  }
0xc3: {  	s0 =	sor.u32 s1, s0  }
0xc4: {  	s0 =	sadd.s32 $0x8F2B, s0  }
0xc5: {  	[sflag:s0] =	ssyncadd.remote.s32 $0x1  }
0xc6: {  	_ =	sfence.sel $0xFFFF  }
0xc7: {  	[dreg:$0x0] =	wrdreg $0xFFFFFFFF;
	(pc) =	sbr.abs _section_cstart, $3  }
0xc8: {  	[dreg:$0x1] =	wrdreg $0xFFFFFFFF  }
0xc9: {  	_ =	task.clear_ibuf [dreg:s9], $0x2FFFF;
	_ =	strace $0x9FFFFFFF  }
0xca: {  	(tm) =	ssettm $0x7FFFFFFF  }
0xcb: {  	_ =	shalt  }
tec
execute0_lowered:
.L_overlay_start_1:
0x0: {  	(tag) =	ssettag $0x1  }
0x1: {  	s0 =	rddreg [dreg:$0x0]  }
0x2: {  	s1 =	rddreg [dreg:$0x1]  }
0x3: {  	s2 =	rddreg [dreg:$0x2]  }
0x4: {  	s4 =	rddreg [dreg:$0x3];
	s3 =	srdreg.scid  }
0x5: {  	s7 =	stileid.u32;
	s14 =	simm.s32 $0x2;
	s15 =	simm.s32 $0x80  }
0x6: {  	s16 =	simm.s32 $0x880;
	s17 =	simm.s32 $0x1080;
	s18 =	simm.s32 $0x1880  }
0x7: {  	s19 =	simm.s32 $0x2080;
	s28 =	simm.s32 $0x6080;
	s29 =	simm.s32 $0x6880  }
0x8: {  	s30 =	simm.s32 $0x7080;
	s31 =	simm.s32 $0x7880;
	s5 =	sand.u32 $0x1, s3  }
0x9: {  	s3 =	simm.s32 $0x0;
	s7 =	sshll.u32 s7, $0x1;
	s6 =	ssub.s32 $0x2, s5  }
0xa: {  	[smem:$0x7FF] =	sst s3;
	s5 =	sor.u32 s5, s7;
	s8 =	sshrl.u32 s6, $0x1  }
0xb: {  	_ =	strace $0x80000047;
	s7 =	sshll.u32 s5, $0x9;
	s20 =	sshll.u32 s5, $0x6  }
0xc: {  	s9 =	sshll.u32 s5, $0xE;
	s5 =	sshll.u32 s5, $0x4;
	s6 =	ssub.s32 s6, s8  }
0xd: {  	s10 =	sor.u32 $0x80, s7;
	s8 =	sadd.s32 s0, s20;
	s21 =	sadd.s32 s2, s9  }
0xe: {  	s24 =	sor.u32 $0x100, s7;
	s7 =	sor.u32 $0x180, s7;
	[dreg:$0x5] =	wrdreg s8  }
0xf: {  	s12 =	sadd.s32 s4, s5;
	s20 =	simm.s32 $0x2880;
	[dreg:$0x6] =	wrdreg s21  }
0x10: {  	s22 =	sshrl.u32 s10, $0x3;
	s23 =	sshll.u32 s10, $0x5;
	s25 =	sshrl.u32 s24, $0x3  }
0x11: {  	s9 =	sshll.u32 s24, $0x5;
	s26 =	sshrl.u32 s7, $0x3;
	s7 =	sshll.u32 s7, $0x5  }
0x12: {  	s13 =	smax.u32 s6, $0x1;
	s21 =	simm.s32 $0x3080;
	s24 =	simm.s32 $0x4880  }
0x13: {  	s8 =	sadd.s32 s0, s22;
	s9 =	sadd.s32 s2, s9;
	s10 =	sadd.s32 s0, s26  }
0x14: {  	s11 =	sadd.s32 s2, s7;
	s22 =	simm.s32 $0x3880;
	s26 =	simm.s32 $0x5880  }
0x15: {  	v2 =	vlaneseq.u32;
	[dreg:$0x7] =	wrdreg s8;
	s8 =	sadd.s32 s2, s23;
	s23 =	simm.s32 $0x4080  }
0x16: {  	vm0 =	vmmov $0xffff;
	v1 =	vshrl.u32 v2, $0x3;
	s2 =	simm.s32 $0x0;
	[dreg:$0x8] =	wrdreg s8;
	s8 =	sadd.s32 s0, s25  }
0x17: {  	v0 =	vand.u32 $0x7, v2;
	v2 =	vor.u32 $0x8, v2;
	v1 =	vmul.u32 $0x8, v1;
	s25 =	simm.s32 $0x5080;
	s0 =	simm.s32 $0x1;
	[dreg:$0x9] =	wrdreg s8  }
.LBB2_1:
0x18: {  	s4 =	rddreg [dreg:$0x5]  }
0x19: {  	[tilespmem:s3], [sflag:$0x2] =	stream.linear.gather [hbm4b:s4+s3], $0x80, $0x38;
	[tilespmem:$0x8100] =	vst v63  }
0x1a: {  	_ =	swait.ge [sflag:s14], $0x80  }
0x1b: {  	[sflag:s14] =	ssyncset.done $0x0  }
0x1c: {  	[sflag:s14] =	ssyncadd.s32 $0xFFFFFF80  }
0x1d: {  	v3 =	vld [tilespmem:$0x0];
	_ =	sdelay $0x4  }
0x1e: {  	v4 =	vshll.u32 v3, $0x1  }
0x1f: {  	v3 =	vand.u32 $0x7, v3;
	v4 =	vand.u32 $0xFFFFFFF0, v4  }
0x20: {  	v3 =	vor.u32 v3, v4  }
0x21: {  	v4 =	vperm.xlane v3, v0;
	_ =	sdelay $0x1  }
0x22: {  	v3 =	vperm.xlane v3, v2;
	v4 =	vadd.s32 v1, v4;
	_ =	sdelay $0x1  }
0x23: {  	v3 =	vadd.s32 v1, v3;
	_ =	sdelay $0x2  }
0x24: {  	[tilespmem:s15], [sflag:$0x1] =	stream.indirect_vreg.gather [hbm4b:s1+s3], $0x80, v4, vm0, $0xb8;
	[tilespmem:$0x8100] =	vst v63  }
0x25: {  	_ = 	snop  }
0x26: {  	[tilespmem:s16], [sflag:$0x1] =	stream.indirect_vreg.gather [hbm4b:s1+s3], $0x80, v3, vm0, $0xb8;
	[tilespmem:$0x8100] =	vst v63  }
0x27: {  	v3 =	vld [tilespmem:$0x10];
	_ =	sdelay $0x4  }
0x28: {  	v43 =	vshll.u32 v3, $0x1  }
0x29: {  	v3 =	vand.u32 $0x7, v3;
	v4 =	vand.u32 $0xFFFFFFF0, v43  }
0x2a: {  	v3 =	vor.u32 v3, v4  }
0x2b: {  	v4 =	vperm.xlane v3, v0;
	_ =	sdelay $0x1  }
0x2c: {  	v3 =	vperm.xlane v3, v2;
	v4 =	vadd.s32 v1, v4;
	_ =	sdelay $0x1  }
0x2d: {  	v3 =	vadd.s32 v1, v3;
	_ =	sdelay $0x2  }
0x2e: {  	[tilespmem:s17], [sflag:$0x1] =	stream.indirect_vreg.gather [hbm4b:s1+s3], $0x80, v4, vm0, $0xb8;
	[tilespmem:$0x8100] =	vst v63  }
0x2f: {  	_ = 	snop  }
0x30: {  	[tilespmem:s18], [sflag:$0x1] =	stream.indirect_vreg.gather [hbm4b:s1+s3], $0x80, v3, vm0, $0xb8;
	[tilespmem:$0x8100] =	vst v63  }
0x31: {  	v3 =	vld [tilespmem:$0x20];
	_ =	sdelay $0x4  }
0x32: {  	v44 =	vshll.u32 v3, $0x1  }
0x33: {  	v3 =	vand.u32 $0x7, v3;
	v4 =	vand.u32 $0xFFFFFFF0, v44  }
0x34: {  	v3 =	vor.u32 v3, v4  }
0x35: {  	v4 =	vperm.xlane v3, v0;
	_ =	sdelay $0x1  }
0x36: {  	v3 =	vperm.xlane v3, v2;
	v4 =	vadd.s32 v1, v4;
	_ =	sdelay $0x1  }
0x37: {  	v3 =	vadd.s32 v1, v3;
	_ =	sdelay $0x2  }
0x38: {  	[tilespmem:s19], [sflag:$0x1] =	stream.indirect_vreg.gather [hbm4b:s1+s3], $0x80, v4, vm0, $0xb8;
	[tilespmem:$0x8100] =	vst v63  }
0x39: {  	_ = 	snop  }
0x3a: {  	[tilespmem:s20], [sflag:$0x1] =	stream.indirect_vreg.gather [hbm4b:s1+s3], $0x80, v3, vm0, $0xb8;
	[tilespmem:$0x8100] =	vst v63  }
0x3b: {  	v3 =	vld [tilespmem:$0x30];
	_ =	sdelay $0x4  }
0x3c: {  	v45 =	vshll.u32 v3, $0x1  }
0x3d: {  	v3 =	vand.u32 $0x7, v3;
	v4 =	vand.u32 $0xFFFFFFF0, v45  }
0x3e: {  	v3 =	vor.u32 v3, v4  }
0x3f: {  	v4 =	vperm.xlane v3, v0;
	_ =	sdelay $0x1  }
0x40: {  	v3 =	vperm.xlane v3, v2;
	v4 =	vadd.s32 v1, v4;
	_ =	sdelay $0x1  }
0x41: {  	v3 =	vadd.s32 v1, v3;
	_ =	sdelay $0x2  }
0x42: {  	[tilespmem:s21], [sflag:$0x1] =	stream.indirect_vreg.gather [hbm4b:s1+s3], $0x80, v4, vm0, $0xb8;
	[tilespmem:$0x8100] =	vst v63  }
0x43: {  	_ = 	snop  }
0x44: {  	[tilespmem:s22], [sflag:$0x1] =	stream.indirect_vreg.gather [hbm4b:s1+s3], $0x80, v3, vm0, $0xb8;
	[tilespmem:$0x8100] =	vst v63  }
0x45: {  	v3 =	vld [tilespmem:$0x40];
	_ =	sdelay $0x4  }
0x46: {  	v46 =	vshll.u32 v3, $0x1  }
0x47: {  	v3 =	vand.u32 $0x7, v3;
	v4 =	vand.u32 $0xFFFFFFF0, v46  }
0x48: {  	v3 =	vor.u32 v3, v4  }
0x49: {  	v4 =	vperm.xlane v3, v0;
	_ =	sdelay $0x1  }
0x4a: {  	v3 =	vperm.xlane v3, v2;
	v4 =	vadd.s32 v1, v4;
	_ =	sdelay $0x1  }
0x4b: {  	v3 =	vadd.s32 v1, v3;
	_ =	sdelay $0x2  }
0x4c: {  	[tilespmem:s23], [sflag:$0x1] =	stream.indirect_vreg.gather [hbm4b:s1+s3], $0x80, v4, vm0, $0xb8;
	[tilespmem:$0x8100] =	vst v63  }
0x4d: {  	_ = 	snop  }
0x4e: {  	[tilespmem:s24], [sflag:$0x1] =	stream.indirect_vreg.gather [hbm4b:s1+s3], $0x80, v3, vm0, $0xb8;
	[tilespmem:$0x8100] =	vst v63  }
0x4f: {  	v3 =	vld [tilespmem:$0x50];
	_ =	sdelay $0x4  }
0x50: {  	v47 =	vshll.u32 v3, $0x1  }
0x51: {  	v3 =	vand.u32 $0x7, v3;
	v4 =	vand.u32 $0xFFFFFFF0, v47  }
0x52: {  	v3 =	vor.u32 v3, v4  }
0x53: {  	v4 =	vperm.xlane v3, v0;
	_ =	sdelay $0x1  }
0x54: {  	v3 =	vperm.xlane v3, v2;
	v4 =	vadd.s32 v1, v4;
	_ =	sdelay $0x1  }
0x55: {  	v3 =	vadd.s32 v1, v3;
	_ =	sdelay $0x2  }
0x56: {  	[tilespmem:s25], [sflag:$0x1] =	stream.indirect_vreg.gather [hbm4b:s1+s3], $0x80, v4, vm0, $0xb8;
	[tilespmem:$0x8100] =	vst v63  }
0x57: {  	_ = 	snop  }
0x58: {  	[tilespmem:s26], [sflag:$0x1] =	stream.indirect_vreg.gather [hbm4b:s1+s3], $0x80, v3, vm0, $0xb8;
	[tilespmem:$0x8100] =	vst v63  }
0x59: {  	v3 =	vld [tilespmem:$0x60];
	_ =	sdelay $0x4  }
0x5a: {  	v48 =	vshll.u32 v3, $0x1  }
0x5b: {  	v3 =	vand.u32 $0x7, v3;
	v4 =	vand.u32 $0xFFFFFFF0, v48  }
0x5c: {  	v3 =	vor.u32 v3, v4  }
0x5d: {  	v4 =	vperm.xlane v3, v0;
	_ =	sdelay $0x1  }
0x5e: {  	v3 =	vperm.xlane v3, v2;
	v4 =	vadd.s32 v1, v4;
	_ =	sdelay $0x1  }
0x5f: {  	v3 =	vadd.s32 v1, v3;
	_ =	sdelay $0x2  }
0x60: {  	[tilespmem:s28], [sflag:$0x1] =	stream.indirect_vreg.gather [hbm4b:s1+s3], $0x80, v4, vm0, $0xb8;
	[tilespmem:$0x8100] =	vst v63  }
0x61: {  	_ = 	snop  }
0x62: {  	[tilespmem:s29], [sflag:$0x1] =	stream.indirect_vreg.gather [hbm4b:s1+s3], $0x80, v3, vm0, $0xb8;
	[tilespmem:$0x8100] =	vst v63  }
0x63: {  	v3 =	vld [tilespmem:$0x70];
	_ =	sdelay $0x4  }
0x64: {  	v49 =	vshll.u32 v3, $0x1  }
0x65: {  	v3 =	vand.u32 $0x7, v3;
	v4 =	vand.u32 $0xFFFFFFF0, v49  }
0x66: {  	v3 =	vor.u32 v3, v4  }
0x67: {  	v4 =	vperm.xlane v3, v0;
	_ =	sdelay $0x1  }
0x68: {  	v3 =	vperm.xlane v3, v2;
	v4 =	vadd.s32 v1, v4;
	_ =	sdelay $0x1  }
0x69: {  	v3 =	vadd.s32 v1, v3;
	_ =	sdelay $0x2  }
0x6a: {  	[tilespmem:s30], [sflag:$0x1] =	stream.indirect_vreg.gather [hbm4b:s1+s3], $0x80, v4, vm0, $0xb8;
	[tilespmem:$0x8100] =	vst v63  }
0x6b: {  	_ = 	snop  }
0x6c: {  	[tilespmem:s31], [sflag:$0x1] =	stream.indirect_vreg.gather [hbm4b:s1+s3], $0x80, v3, vm0, $0xb8;
	[tilespmem:$0x8100] =	vst v63  }
0x6d: {  	_ =	swait.ge [sflag:s0], $0x8000  }
0x6e: {  	s7 =	sand.u32 $0x7800, s3;
	s5 =	sand.u32 $0x380, s3;
	[sflag:s0] =	ssyncset.done $0x0  }
0x6f: {  	s6 =	sor.u32 s5, s7;
	[sflag:s0] =	ssyncadd.s32 $0xFFFF8000  }
0x70: {  	v3 =	vld [tilespmem:s6+$0x80];
	_ =	sdelay $0x1  }
0x71: {  	v50 =	vld [tilespmem:s6+$0x90];
	_ =	sdelay $0x1  }
0x72: {  	v5 =	vld [tilespmem:s6+$0xA0]  }
0x73: {  	v3 =	vmul.f32 v3, v3  }
0x74: {  	v6 =	vimm.f32 $0.0e+00;
	v7 =	vld [tilespmem:s6+$0xB0]  }
0x75: {  	v4 =	vmul.f32 v50, v50;
	v3 =	vadd.f32 v3, v6  }
0x76: {  	v6 =	vld [tilespmem:s6+$0xC0]  }
0x77: {  	v51 =	vmul.f32 v5, v5;
	v3 =	vadd.f32 v4, v3  }
0x78: {  	v52 =	vld [tilespmem:s6+$0xD0]  }
0x79: {  	v53 =	vmul.f32 v7, v7;
	v3 =	vadd.f32 v51, v3  }
0x7a: {  	v7 =	vld [tilespmem:s6+$0xE0]  }
0x7b: {  	v54 =	vmul.f32 v6, v6;
	v3 =	vadd.f32 v53, v3  }
0x7c: {  	v6 =	vld [tilespmem:s6+$0xF0]  }
0x7d: {  	v55 =	vmul.f32 v52, v52;
	v3 =	vadd.f32 v54, v3  }
0x7e: {  	v56 =	vld [tilespmem:s6+$0x480]  }
0x7f: {  	v57 =	vmul.f32 v7, v7;
	v3 =	vadd.f32 v55, v3  }
0x80: {  	v7 =	vld [tilespmem:s6+$0x490]  }
0x81: {  	v58 =	vmul.f32 v6, v6;
	v3 =	vadd.f32 v57, v3  }
0x82: {  	v6 =	vld [tilespmem:s6+$0x4A0]  }
0x83: {  	v59 =	vmul.f32 v56, v56;
	v3 =	vadd.f32 v58, v3  }
0x84: {  	v60 =	vld [tilespmem:s6+$0x4B0]  }
0x85: {  	v61 =	vmul.f32 v7, v7;
	v3 =	vadd.f32 v59, v3  }
0x86: {  	v7 =	vld [tilespmem:s6+$0x4C0]  }
0x87: {  	v62 =	vmul.f32 v6, v6;
	v3 =	vadd.f32 v61, v3  }
0x88: {  	v9 =	vld [tilespmem:s6+$0x4D0]  }
0x89: {  	v63 =	vmul.f32 v60, v60;
	v3 =	vadd.f32 v62, v3  }
0x8a: {  	v8 =	vld [tilespmem:s6+$0x4E0]  }
0x8b: {  	s8 =	simm.s32 $0x100;
	s4 =	simm.s32 $0x80;
	v12 =	vmul.f32 v7, v7;
	v11 =	vadd.f32 v63, v3  }
0x8c: {  	s7 =	sand.u32 $0x7800, s8;
	s5 =	simm.s32 $0x200;
	s8 =	sand.u32 $0x380, s4;
	v10 =	vld [tilespmem:s6+$0x4F0]  }
.LBB2_2:
0x8d: {  	p0 =	sne.s32 s5, $0x7F00;
	s6 =	sor.u32 s8, s7;
	v3 =	vadd.f32 v12, v11;
	v4 =	vmul.f32 v9, v9  }
0x8e: {  	v5 =	vld [tilespmem:s6+$0x80]  }
0x8f: {  	v3 =	vadd.f32 v4, v3;
	v4 =	vmul.f32 v8, v8  }
0x90: {  	v6 =	vld [tilespmem:s6+$0x90]  }
0x91: {  	v3 =	vadd.f32 v4, v3;
	v4 =	vmul.f32 v10, v10  }
0x92: {  	v7 =	vld [tilespmem:s6+$0xA0]  }
0x93: {  	v5 =	vmul.f32 v5, v5;
	v3 =	vadd.f32 v4, v3  }
0x94: {  	v4 =	vld [tilespmem:s6+$0xB0]  }
0x95: {  	v3 =	vadd.f32 v5, v3;
	v5 =	vmul.f32 v6, v6  }
0x96: {  	v6 =	vld [tilespmem:s6+$0xC0]  }
0x97: {  	v3 =	vadd.f32 v5, v3;
	v5 =	vmul.f32 v7, v7  }
0x98: {  	v7 =	vld [tilespmem:s6+$0xD0]  }
0x99: {  	v3 =	vadd.f32 v5, v3;
	v4 =	vmul.f32 v4, v4  }
0x9a: {  	v5 =	vld [tilespmem:s6+$0xE0]  }
0x9b: {  	v3 =	vadd.f32 v4, v3;
	v4 =	vmul.f32 v6, v6  }
0x9c: {  	v6 =	vld [tilespmem:s6+$0xF0]  }
0x9d: {  	v3 =	vadd.f32 v4, v3;
	v4 =	vmul.f32 v7, v7  }
0x9e: {  	v7 =	vld [tilespmem:s6+$0x480]  }
0x9f: {  	v3 =	vadd.f32 v4, v3;
	v4 =	vmul.f32 v5, v5  }
0xa0: {  	v5 =	vld [tilespmem:s6+$0x490]  }
0xa1: {  	v3 =	vadd.f32 v4, v3;
	v4 =	vmul.f32 v6, v6  }
0xa2: {  	v6 =	vld [tilespmem:s6+$0x4A0]  }
0xa3: {  	v3 =	vadd.f32 v4, v3;
	v4 =	vmul.f32 v7, v7  }
0xa4: {  	v7 =	vld [tilespmem:s6+$0x4B0]  }
0xa5: {  	v3 =	vadd.f32 v4, v3;
	v4 =	vmul.f32 v5, v5  }
0xa6: {  	v5 =	vld [tilespmem:s6+$0x4C0]  }
0xa7: {  	v3 =	vadd.f32 v4, v3;
	v4 =	vmul.f32 v6, v6  }
.Ltmp0:
0xa8: {  	v9 =	vld [tilespmem:s6+$0x4D0];
	(pc) =	sbr.rel @p0 .LBB2_2-.Ltmp0, $4  }
0xa9: {  	v3 =	vadd.f32 v4, v3;
	v4 =	vmul.f32 v7, v7  }
0xaa: {  	v8 =	vld [tilespmem:s6+$0x4E0]  }
0xab: {  	s4 =	sadd.s32 $0x80, s4;
	v11 =	vadd.f32 v4, v3;
	v12 =	vmul.f32 v5, v5  }
0xac: {  	s7 =	sand.u32 $0x7800, s5;
	s5 =	sadd.s32 $0x100, s5;
	s8 =	sand.u32 $0x380, s4;
	v10 =	vld [tilespmem:s6+$0x4F0]  }
0xad: {  	s4 =	sor.u32 s8, s7  }
0xae: {  	v13 =	vld [tilespmem:s4+$0x80]  }
0xaf: {  	v14 =	vld [tilespmem:s4+$0x90]  }
0xb0: {  	v15 =	vld [tilespmem:s4+$0xA0]  }
0xb1: {  	v16 =	vld [tilespmem:s4+$0xB0]  }
0xb2: {  	v17 =	vld [tilespmem:s4+$0xC0]  }
0xb3: {  	v18 =	vld [tilespmem:s4+$0xD0]  }
0xb4: {  	v19 =	vld [tilespmem:s4+$0xE0]  }
0xb5: {  	v20 =	vld [tilespmem:s4+$0xF0]  }
0xb6: {  	v21 =	vld [tilespmem:s4+$0x480]  }
0xb7: {  	v22 =	vld [tilespmem:s4+$0x490]  }
0xb8: {  	v23 =	vld [tilespmem:s4+$0x4A0]  }
0xb9: {  	v7 =	vld [tilespmem:s4+$0x4B0]  }
0xba: {  	v6 =	vld [tilespmem:s4+$0x4C0]  }
0xbb: {  	v5 =	vld [tilespmem:s4+$0x4D0]  }
0xbc: {  	s8 =	simm.s32 $0x0;
	s5 =	rddreg [dreg:$0x6];
	v4 =	vld [tilespmem:s4+$0x4E0]  }
0xbd: {  	v3 =	vld [tilespmem:s4+$0x4F0];
	[hbm4b:s5+s8] =	stream.linear.scatter [tilespmem:s15], [sflag:$0x2], $0x8000, $0x38  }
0xbe: {  	_ =	swait.ge [sflag:s14], $0x8000  }
0xbf: {  	[sflag:s14] =	ssyncset.done $0x0  }
0xc0: {  	s6 =	rddreg [dreg:$0x7];
	[sflag:s14] =	ssyncadd.s32 $0xFFFF8000  }
0xc1: {  	[tilespmem:s8], [sflag:$0x2] =	stream.linear.gather [hbm4b:s6+s8], $0x80, $0x38;
	[tilespmem:$0x8100] =	vst v63  }
0xc2: {  	_ =	swait.ge [sflag:s14], $0x80  }
0xc3: {  	[sflag:s14] =	ssyncset.done $0x0  }
0xc4: {  	[sflag:s14] =	ssyncadd.s32 $0xFFFFFF80  }
0xc5: {  	v24 =	vld [tilespmem:$0x0];
	_ =	sdelay $0x4  }
0xc6: {  	v25 =	vshll.u32 v24, $0x1  }
0xc7: {  	v24 =	vand.u32 $0x7, v24;
	v25 =	vand.u32 $0xFFFFFFF0, v25  }
0xc8: {  	v24 =	vor.u32 v24, v25  }
0xc9: {  	v25 =	vperm.xlane v24, v0;
	_ =	sdelay $0x1  }
0xca: {  	v24 =	vperm.xlane v24, v2;
	v25 =	vadd.s32 v1, v25;
	_ =	sdelay $0x1  }
0xcb: {  	v24 =	vadd.s32 v1, v24;
	_ =	sdelay $0x2  }
0xcc: {  	[tilespmem:s15], [sflag:$0x1] =	stream.indirect_vreg.gather [hbm4b:s1+s8], $0x80, v25, vm0, $0xb8;
	[tilespmem:$0x8100] =	vst v63  }
0xcd: {  	_ = 	snop  }
0xce: {  	[tilespmem:s16], [sflag:$0x1] =	stream.indirect_vreg.gather [hbm4b:s1+s8], $0x80, v24, vm0, $0xb8;
	[tilespmem:$0x8100] =	vst v63  }
0xcf: {  	v24 =	vld [tilespmem:$0x10];
	_ =	sdelay $0x4  }
0xd0: {  	v43 =	vshll.u32 v24, $0x1  }
0xd1: {  	v24 =	vand.u32 $0x7, v24;
	v25 =	vand.u32 $0xFFFFFFF0, v43  }
0xd2: {  	v24 =	vor.u32 v24, v25  }
0xd3: {  	v25 =	vperm.xlane v24, v0;
	_ =	sdelay $0x1  }
0xd4: {  	v24 =	vperm.xlane v24, v2;
	v25 =	vadd.s32 v1, v25;
	_ =	sdelay $0x1  }
0xd5: {  	v24 =	vadd.s32 v1, v24;
	_ =	sdelay $0x2  }
0xd6: {  	[tilespmem:s17], [sflag:$0x1] =	stream.indirect_vreg.gather [hbm4b:s1+s8], $0x80, v25, vm0, $0xb8;
	[tilespmem:$0x8100] =	vst v63  }
0xd7: {  	_ = 	snop  }
0xd8: {  	[tilespmem:s18], [sflag:$0x1] =	stream.indirect_vreg.gather [hbm4b:s1+s8], $0x80, v24, vm0, $0xb8;
	[tilespmem:$0x8100] =	vst v63  }
0xd9: {  	v24 =	vld [tilespmem:$0x20];
	_ =	sdelay $0x4  }
0xda: {  	v44 =	vshll.u32 v24, $0x1  }
0xdb: {  	v24 =	vand.u32 $0x7, v24;
	v25 =	vand.u32 $0xFFFFFFF0, v44  }
0xdc: {  	v24 =	vor.u32 v24, v25  }
0xdd: {  	v25 =	vperm.xlane v24, v0;
	_ =	sdelay $0x1  }
0xde: {  	v24 =	vperm.xlane v24, v2;
	v25 =	vadd.s32 v1, v25;
	_ =	sdelay $0x1  }
0xdf: {  	v24 =	vadd.s32 v1, v24;
	_ =	sdelay $0x2  }
0xe0: {  	[tilespmem:s19], [sflag:$0x1] =	stream.indirect_vreg.gather [hbm4b:s1+s8], $0x80, v25, vm0, $0xb8;
	[tilespmem:$0x8100] =	vst v63  }
0xe1: {  	_ = 	snop  }
0xe2: {  	[tilespmem:s20], [sflag:$0x1] =	stream.indirect_vreg.gather [hbm4b:s1+s8], $0x80, v24, vm0, $0xb8;
	[tilespmem:$0x8100] =	vst v63  }
0xe3: {  	v24 =	vld [tilespmem:$0x30];
	_ =	sdelay $0x4  }
0xe4: {  	v45 =	vshll.u32 v24, $0x1  }
0xe5: {  	v24 =	vand.u32 $0x7, v24;
	v25 =	vand.u32 $0xFFFFFFF0, v45  }
0xe6: {  	v24 =	vor.u32 v24, v25  }
0xe7: {  	v25 =	vperm.xlane v24, v0;
	_ =	sdelay $0x1  }
0xe8: {  	v24 =	vperm.xlane v24, v2;
	v25 =	vadd.s32 v1, v25;
	_ =	sdelay $0x1  }
0xe9: {  	v24 =	vadd.s32 v1, v24;
	_ =	sdelay $0x2  }
0xea: {  	[tilespmem:s21], [sflag:$0x1] =	stream.indirect_vreg.gather [hbm4b:s1+s8], $0x80, v25, vm0, $0xb8;
	[tilespmem:$0x8100] =	vst v63  }
0xeb: {  	_ = 	snop  }
0xec: {  	[tilespmem:s22], [sflag:$0x1] =	stream.indirect_vreg.gather [hbm4b:s1+s8], $0x80, v24, vm0, $0xb8;
	[tilespmem:$0x8100] =	vst v63  }
0xed: {  	v24 =	vld [tilespmem:$0x40];
	_ =	sdelay $0x4  }
0xee: {  	v46 =	vshll.u32 v24, $0x1  }
0xef: {  	v24 =	vand.u32 $0x7, v24;
	v25 =	vand.u32 $0xFFFFFFF0, v46  }
0xf0: {  	v24 =	vor.u32 v24, v25  }
0xf1: {  	v25 =	vperm.xlane v24, v0;
	_ =	sdelay $0x1  }
0xf2: {  	v24 =	vperm.xlane v24, v2;
	v25 =	vadd.s32 v1, v25;
	_ =	sdelay $0x1  }
0xf3: {  	v24 =	vadd.s32 v1, v24;
	_ =	sdelay $0x2  }
0xf4: {  	[tilespmem:s23], [sflag:$0x1] =	stream.indirect_vreg.gather [hbm4b:s1+s8], $0x80, v25, vm0, $0xb8;
	[tilespmem:$0x8100] =	vst v63  }
0xf5: {  	_ = 	snop  }
0xf6: {  	[tilespmem:s24], [sflag:$0x1] =	stream.indirect_vreg.gather [hbm4b:s1+s8], $0x80, v24, vm0, $0xb8;
	[tilespmem:$0x8100] =	vst v63  }
0xf7: {  	v24 =	vld [tilespmem:$0x50];
	_ =	sdelay $0x4  }
0xf8: {  	v47 =	vshll.u32 v24, $0x1  }
0xf9: {  	v24 =	vand.u32 $0x7, v24;
	v25 =	vand.u32 $0xFFFFFFF0, v47  }
0xfa: {  	v24 =	vor.u32 v24, v25  }
0xfb: {  	v25 =	vperm.xlane v24, v0;
	_ =	sdelay $0x1  }
0xfc: {  	v24 =	vperm.xlane v24, v2;
	v25 =	vadd.s32 v1, v25;
	_ =	sdelay $0x1  }
0xfd: {  	v24 =	vadd.s32 v1, v24;
	_ =	sdelay $0x2  }
0xfe: {  	[tilespmem:s25], [sflag:$0x1] =	stream.indirect_vreg.gather [hbm4b:s1+s8], $0x80, v25, vm0, $0xb8;
	[tilespmem:$0x8100] =	vst v63  }
0xff: {  	_ = 	snop  }
0x100: {  	[tilespmem:s26], [sflag:$0x1] =	stream.indirect_vreg.gather [hbm4b:s1+s8], $0x80, v24, vm0, $0xb8;
	[tilespmem:$0x8100] =	vst v63  }
0x101: {  	v24 =	vld [tilespmem:$0x60];
	_ =	sdelay $0x4  }
0x102: {  	v11 =	vadd.f32 v12, v11;
	v9 =	vmul.f32 v9, v9;
	v12 =	vshll.u32 v24, $0x1  }
0x103: {  	v24 =	vand.u32 $0x7, v24;
	v12 =	vand.u32 $0xFFFFFFF0, v12  }
0x104: {  	v9 =	vadd.f32 v9, v11;
	v8 =	vmul.f32 v8, v8;
	v11 =	vor.u32 v24, v12  }
0x105: {  	v12 =	vperm.xlane v11, v0  }
0x106: {  	v8 =	vadd.f32 v8, v9;
	v9 =	vmul.f32 v10, v10  }
0x107: {  	v11 =	vperm.xlane v11, v2;
	v10 =	vadd.s32 v1, v12  }
0x108: {  	v8 =	vadd.f32 v9, v8;
	v9 =	vmul.f32 v13, v13  }
0x109: {  	v11 =	vadd.s32 v1, v11  }
0x10a: {  	v8 =	vadd.f32 v9, v8;
	v9 =	vmul.f32 v14, v14;
	_ =	sdelay $0x1  }
0x10b: {  	v8 =	vadd.f32 v9, v8;
	v9 =	vmul.f32 v15, v15;
	[tilespmem:s28], [sflag:$0x1] =	stream.indirect_vreg.gather [hbm4b:s1+s8], $0x80, v10, vm0, $0xb8;
	[tilespmem:$0x8100] =	vst v63  }
0x10c: {  	_ = 	snop  }
0x10d: {  	v8 =	vadd.f32 v9, v8;
	v9 =	vmul.f32 v16, v16;
	[tilespmem:s29], [sflag:$0x1] =	stream.indirect_vreg.gather [hbm4b:s1+s8], $0x80, v11, vm0, $0xb8;
	[tilespmem:$0x8100] =	vst v63  }
0x10e: {  	v10 =	vld [tilespmem:$0x70]  }
0x10f: {  	v8 =	vadd.f32 v9, v8;
	v9 =	vmul.f32 v17, v17;
	_ =	sdelay $0x1  }
0x110: {  	v8 =	vadd.f32 v9, v8;
	v9 =	vmul.f32 v18, v18;
	_ =	sdelay $0x1  }
0x111: {  	v8 =	vadd.f32 v9, v8;
	v9 =	vmul.f32 v19, v19;
	v11 =	vshll.u32 v10, $0x1  }
0x112: {  	v10 =	vand.u32 $0x7, v10;
	v11 =	vand.u32 $0xFFFFFFF0, v11  }
0x113: {  	v8 =	vadd.f32 v9, v8;
	v9 =	vmul.f32 v20, v20;
	v10 =	vor.u32 v10, v11  }
0x114: {  	v11 =	vperm.xlane v10, v0  }
0x115: {  	v8 =	vadd.f32 v9, v8  }
0x116: {  	v9 =	vmul.f32 v21, v21;
	v10 =	vperm.xlane v10, v2;
	v11 =	vadd.s32 v1, v11;
	_ =	sdelay $0x1  }
0x117: {  	v8 =	vadd.f32 v9, v8;
	v9 =	vmul.f32 v22, v22;
	v10 =	vadd.s32 v1, v10;
	_ =	sdelay $0x1  }
0x118: {  	v8 =	vadd.f32 v9, v8;
	v9 =	vmul.f32 v23, v23  }
0x119: {  	[tilespmem:s30], [sflag:$0x1] =	stream.indirect_vreg.gather [hbm4b:s1+s8], $0x80, v11, vm0, $0xb8;
	[tilespmem:$0x8100] =	vst v63  }
0x11a: {  	v7 =	vmul.f32 v7, v7;
	v8 =	vadd.f32 v9, v8  }
0x11b: {  	[tilespmem:s31], [sflag:$0x1] =	stream.indirect_vreg.gather [hbm4b:s1+s8], $0x80, v10, vm0, $0xb8;
	[tilespmem:$0x8100] =	vst v63  }
0x11c: {  	v6 =	vmul.f32 v6, v6;
	v7 =	vadd.f32 v7, v8;
	_ =	swait.ge [sflag:s0], $0x8000  }
0x11d: {  	s7 =	sand.u32 $0x7800, s8;
	s4 =	sand.u32 $0x380, s8;
	[sflag:s0] =	ssyncset.done $0x0  }
0x11e: {  	s6 =	sor.u32 s4, s7;
	v5 =	vmul.f32 v5, v5;
	v6 =	vadd.f32 v6, v7;
	[sflag:s0] =	ssyncadd.s32 $0xFFFF8000  }
0x11f: {  	v7 =	vld [tilespmem:s6+$0x80]  }
0x120: {  	v4 =	vmul.f32 v4, v4;
	v5 =	vadd.f32 v5, v6  }
0x121: {  	v6 =	vld [tilespmem:s6+$0x90]  }
0x122: {  	v3 =	vmul.f32 v3, v3;
	v4 =	vadd.f32 v4, v5  }
0x123: {  	v48 =	vld [tilespmem:s6+$0xA0]  }
0x124: {  	v3 =	vadd.f32 v3, v4;
	v49 =	vmul.f32 v7, v7  }
0x125: {  	v7 =	vld [tilespmem:s6+$0xB0]  }
0x126: {  	v50 =	vmul.f32 v6, v6;
	v3 =	vadd.f32 v49, v3  }
0x127: {  	v6 =	vld [tilespmem:s6+$0xC0]  }
0x128: {  	v51 =	vmul.f32 v48, v48;
	v3 =	vadd.f32 v50, v3  }
0x129: {  	v52 =	vld [tilespmem:s6+$0xD0]  }
0x12a: {  	v53 =	vmul.f32 v7, v7;
	v3 =	vadd.f32 v51, v3  }
0x12b: {  	v7 =	vld [tilespmem:s6+$0xE0]  }
0x12c: {  	v54 =	vmul.f32 v6, v6;
	v3 =	vadd.f32 v53, v3  }
0x12d: {  	v6 =	vld [tilespmem:s6+$0xF0]  }
0x12e: {  	v55 =	vmul.f32 v52, v52;
	v3 =	vadd.f32 v54, v3  }
0x12f: {  	v56 =	vld [tilespmem:s6+$0x480]  }
0x130: {  	v57 =	vmul.f32 v7, v7;
	v3 =	vadd.f32 v55, v3  }
0x131: {  	v7 =	vld [tilespmem:s6+$0x490]  }
0x132: {  	v58 =	vmul.f32 v6, v6;
	v3 =	vadd.f32 v57, v3  }
0x133: {  	v6 =	vld [tilespmem:s6+$0x4A0]  }
0x134: {  	v59 =	vmul.f32 v56, v56;
	v3 =	vadd.f32 v58, v3  }
0x135: {  	v60 =	vld [tilespmem:s6+$0x4B0]  }
0x136: {  	v61 =	vmul.f32 v7, v7;
	v3 =	vadd.f32 v59, v3  }
0x137: {  	v7 =	vld [tilespmem:s6+$0x4C0]  }
0x138: {  	v62 =	vmul.f32 v6, v6;
	v3 =	vadd.f32 v61, v3  }
0x139: {  	v9 =	vld [tilespmem:s6+$0x4D0]  }
0x13a: {  	v63 =	vmul.f32 v60, v60;
	v3 =	vadd.f32 v62, v3  }
0x13b: {  	v8 =	vld [tilespmem:s6+$0x4E0]  }
0x13c: {  	s4 =	simm.s32 $0x80;
	s8 =	simm.s32 $0x100;
	v12 =	vmul.f32 v7, v7;
	v11 =	vadd.f32 v63, v3  }
0x13d: {  	s5 =	simm.s32 $0x200;
	s7 =	sand.u32 $0x7800, s8;
	s8 =	sand.u32 $0x380, s4;
	v10 =	vld [tilespmem:s6+$0x4F0]  }
.LBB2_4:
0x13e: {  	p0 =	sne.s32 s5, $0x7F00;
	s6 =	sor.u32 s8, s7;
	v3 =	vadd.f32 v12, v11;
	v4 =	vmul.f32 v9, v9  }
0x13f: {  	v5 =	vld [tilespmem:s6+$0x80]  }
0x140: {  	v3 =	vadd.f32 v4, v3;
	v4 =	vmul.f32 v8, v8  }
0x141: {  	v6 =	vld [tilespmem:s6+$0x90]  }
0x142: {  	v3 =	vadd.f32 v4, v3;
	v4 =	vmul.f32 v10, v10  }
0x143: {  	v7 =	vld [tilespmem:s6+$0xA0]  }
0x144: {  	v5 =	vmul.f32 v5, v5;
	v3 =	vadd.f32 v4, v3  }
0x145: {  	v4 =	vld [tilespmem:s6+$0xB0]  }
0x146: {  	v3 =	vadd.f32 v5, v3;
	v5 =	vmul.f32 v6, v6  }
0x147: {  	v6 =	vld [tilespmem:s6+$0xC0]  }
0x148: {  	v3 =	vadd.f32 v5, v3;
	v5 =	vmul.f32 v7, v7  }
0x149: {  	v7 =	vld [tilespmem:s6+$0xD0]  }
0x14a: {  	v3 =	vadd.f32 v5, v3;
	v4 =	vmul.f32 v4, v4  }
0x14b: {  	v5 =	vld [tilespmem:s6+$0xE0]  }
0x14c: {  	v3 =	vadd.f32 v4, v3;
	v4 =	vmul.f32 v6, v6  }
0x14d: {  	v6 =	vld [tilespmem:s6+$0xF0]  }
0x14e: {  	v3 =	vadd.f32 v4, v3;
	v4 =	vmul.f32 v7, v7  }
0x14f: {  	v7 =	vld [tilespmem:s6+$0x480]  }
0x150: {  	v3 =	vadd.f32 v4, v3;
	v4 =	vmul.f32 v5, v5  }
0x151: {  	v5 =	vld [tilespmem:s6+$0x490]  }
0x152: {  	v3 =	vadd.f32 v4, v3;
	v4 =	vmul.f32 v6, v6  }
0x153: {  	v6 =	vld [tilespmem:s6+$0x4A0]  }
0x154: {  	v3 =	vadd.f32 v4, v3;
	v4 =	vmul.f32 v7, v7  }
0x155: {  	v7 =	vld [tilespmem:s6+$0x4B0]  }
0x156: {  	v3 =	vadd.f32 v4, v3;
	v4 =	vmul.f32 v5, v5  }
0x157: {  	v5 =	vld [tilespmem:s6+$0x4C0]  }
0x158: {  	v3 =	vadd.f32 v4, v3;
	v4 =	vmul.f32 v6, v6  }
.Ltmp1:
0x159: {  	v9 =	vld [tilespmem:s6+$0x4D0];
	(pc) =	sbr.rel @p0 .LBB2_4-.Ltmp1, $4  }
0x15a: {  	v3 =	vadd.f32 v4, v3;
	v4 =	vmul.f32 v7, v7  }
0x15b: {  	v8 =	vld [tilespmem:s6+$0x4E0]  }
0x15c: {  	s4 =	sadd.s32 $0x80, s4;
	v11 =	vadd.f32 v4, v3;
	v12 =	vmul.f32 v5, v5  }
0x15d: {  	s7 =	sand.u32 $0x7800, s5;
	s5 =	sadd.s32 $0x100, s5;
	s8 =	sand.u32 $0x380, s4;
	v10 =	vld [tilespmem:s6+$0x4F0]  }
0x15e: {  	s4 =	sor.u32 s8, s7  }
0x15f: {  	v13 =	vld [tilespmem:s4+$0x80]  }
0x160: {  	v14 =	vld [tilespmem:s4+$0x90]  }
0x161: {  	v15 =	vld [tilespmem:s4+$0xA0]  }
0x162: {  	v16 =	vld [tilespmem:s4+$0xB0]  }
0x163: {  	v17 =	vld [tilespmem:s4+$0xC0]  }
0x164: {  	v18 =	vld [tilespmem:s4+$0xD0]  }
0x165: {  	v19 =	vld [tilespmem:s4+$0xE0]  }
0x166: {  	v20 =	vld [tilespmem:s4+$0xF0]  }
0x167: {  	v21 =	vld [tilespmem:s4+$0x480]  }
0x168: {  	v22 =	vld [tilespmem:s4+$0x490]  }
0x169: {  	v23 =	vld [tilespmem:s4+$0x4A0]  }
0x16a: {  	v7 =	vld [tilespmem:s4+$0x4B0]  }
0x16b: {  	v6 =	vld [tilespmem:s4+$0x4C0]  }
0x16c: {  	v5 =	vld [tilespmem:s4+$0x4D0]  }
0x16d: {  	s8 =	simm.s32 $0x0;
	s5 =	rddreg [dreg:$0x8];
	v4 =	vld [tilespmem:s4+$0x4E0]  }
0x16e: {  	v3 =	vld [tilespmem:s4+$0x4F0];
	[hbm4b:s5+s8] =	stream.linear.scatter [tilespmem:s15], [sflag:$0x2], $0x8000, $0x38  }
0x16f: {  	_ =	swait.ge [sflag:s14], $0x8000  }
0x170: {  	[sflag:s14] =	ssyncset.done $0x0  }
0x171: {  	s6 =	rddreg [dreg:$0x9];
	[sflag:s14] =	ssyncadd.s32 $0xFFFF8000  }
0x172: {  	[tilespmem:s8], [sflag:$0x2] =	stream.linear.gather [hbm4b:s6+s8], $0x80, $0x38;
	[tilespmem:$0x8100] =	vst v63  }
0x173: {  	_ =	swait.ge [sflag:s14], $0x80  }
0x174: {  	[sflag:s14] =	ssyncset.done $0x0  }
0x175: {  	[sflag:s14] =	ssyncadd.s32 $0xFFFFFF80  }
0x176: {  	v24 =	vld [tilespmem:$0x0];
	_ =	sdelay $0x4  }
0x177: {  	v25 =	vshll.u32 v24, $0x1  }
0x178: {  	v24 =	vand.u32 $0x7, v24;
	v25 =	vand.u32 $0xFFFFFFF0, v25  }
0x179: {  	v24 =	vor.u32 v24, v25  }
0x17a: {  	v25 =	vperm.xlane v24, v0;
	_ =	sdelay $0x1  }
0x17b: {  	v24 =	vperm.xlane v24, v2;
	v25 =	vadd.s32 v1, v25;
	_ =	sdelay $0x1  }
0x17c: {  	v24 =	vadd.s32 v1, v24;
	_ =	sdelay $0x2  }
0x17d: {  	[tilespmem:s15], [sflag:$0x1] =	stream.indirect_vreg.gather [hbm4b:s1+s8], $0x80, v25, vm0, $0xb8;
	[tilespmem:$0x8100] =	vst v63  }
0x17e: {  	_ = 	snop  }
0x17f: {  	[tilespmem:s16], [sflag:$0x1] =	stream.indirect_vreg.gather [hbm4b:s1+s8], $0x80, v24, vm0, $0xb8;
	[tilespmem:$0x8100] =	vst v63  }
0x180: {  	v24 =	vld [tilespmem:$0x10];
	_ =	sdelay $0x4  }
0x181: {  	v43 =	vshll.u32 v24, $0x1  }
0x182: {  	v24 =	vand.u32 $0x7, v24;
	v25 =	vand.u32 $0xFFFFFFF0, v43  }
0x183: {  	v24 =	vor.u32 v24, v25  }
0x184: {  	v25 =	vperm.xlane v24, v0;
	_ =	sdelay $0x1  }
0x185: {  	v24 =	vperm.xlane v24, v2;
	v25 =	vadd.s32 v1, v25;
	_ =	sdelay $0x1  }
0x186: {  	v24 =	vadd.s32 v1, v24;
	_ =	sdelay $0x2  }
0x187: {  	[tilespmem:s17], [sflag:$0x1] =	stream.indirect_vreg.gather [hbm4b:s1+s8], $0x80, v25, vm0, $0xb8;
	[tilespmem:$0x8100] =	vst v63  }
0x188: {  	_ = 	snop  }
0x189: {  	[tilespmem:s18], [sflag:$0x1] =	stream.indirect_vreg.gather [hbm4b:s1+s8], $0x80, v24, vm0, $0xb8;
	[tilespmem:$0x8100] =	vst v63  }
0x18a: {  	v24 =	vld [tilespmem:$0x20];
	_ =	sdelay $0x4  }
0x18b: {  	v44 =	vshll.u32 v24, $0x1  }
0x18c: {  	v24 =	vand.u32 $0x7, v24;
	v25 =	vand.u32 $0xFFFFFFF0, v44  }
0x18d: {  	v24 =	vor.u32 v24, v25  }
0x18e: {  	v25 =	vperm.xlane v24, v0;
	_ =	sdelay $0x1  }
0x18f: {  	v24 =	vperm.xlane v24, v2;
	v25 =	vadd.s32 v1, v25;
	_ =	sdelay $0x1  }
0x190: {  	v24 =	vadd.s32 v1, v24;
	_ =	sdelay $0x2  }
0x191: {  	[tilespmem:s19], [sflag:$0x1] =	stream.indirect_vreg.gather [hbm4b:s1+s8], $0x80, v25, vm0, $0xb8;
	[tilespmem:$0x8100] =	vst v63  }
0x192: {  	_ = 	snop  }
0x193: {  	[tilespmem:s20], [sflag:$0x1] =	stream.indirect_vreg.gather [hbm4b:s1+s8], $0x80, v24, vm0, $0xb8;
	[tilespmem:$0x8100] =	vst v63  }
0x194: {  	v24 =	vld [tilespmem:$0x30];
	_ =	sdelay $0x4  }
0x195: {  	v45 =	vshll.u32 v24, $0x1  }
0x196: {  	v24 =	vand.u32 $0x7, v24;
	v25 =	vand.u32 $0xFFFFFFF0, v45  }
0x197: {  	v24 =	vor.u32 v24, v25  }
0x198: {  	v25 =	vperm.xlane v24, v0;
	_ =	sdelay $0x1  }
0x199: {  	v24 =	vperm.xlane v24, v2;
	v25 =	vadd.s32 v1, v25;
	_ =	sdelay $0x1  }
0x19a: {  	v24 =	vadd.s32 v1, v24;
	_ =	sdelay $0x2  }
0x19b: {  	[tilespmem:s21], [sflag:$0x1] =	stream.indirect_vreg.gather [hbm4b:s1+s8], $0x80, v25, vm0, $0xb8;
	[tilespmem:$0x8100] =	vst v63  }
0x19c: {  	_ = 	snop  }
0x19d: {  	[tilespmem:s22], [sflag:$0x1] =	stream.indirect_vreg.gather [hbm4b:s1+s8], $0x80, v24, vm0, $0xb8;
	[tilespmem:$0x8100] =	vst v63  }
0x19e: {  	v24 =	vld [tilespmem:$0x40];
	_ =	sdelay $0x4  }
0x19f: {  	v46 =	vshll.u32 v24, $0x1  }
0x1a0: {  	v24 =	vand.u32 $0x7, v24;
	v25 =	vand.u32 $0xFFFFFFF0, v46  }
0x1a1: {  	v24 =	vor.u32 v24, v25  }
0x1a2: {  	v25 =	vperm.xlane v24, v0;
	_ =	sdelay $0x1  }
0x1a3: {  	v24 =	vperm.xlane v24, v2;
	v25 =	vadd.s32 v1, v25;
	_ =	sdelay $0x1  }
0x1a4: {  	v24 =	vadd.s32 v1, v24;
	_ =	sdelay $0x2  }
0x1a5: {  	[tilespmem:s23], [sflag:$0x1] =	stream.indirect_vreg.gather [hbm4b:s1+s8], $0x80, v25, vm0, $0xb8;
	[tilespmem:$0x8100] =	vst v63  }
0x1a6: {  	_ = 	snop  }
0x1a7: {  	[tilespmem:s24], [sflag:$0x1] =	stream.indirect_vreg.gather [hbm4b:s1+s8], $0x80, v24, vm0, $0xb8;
	[tilespmem:$0x8100] =	vst v63  }
0x1a8: {  	v24 =	vld [tilespmem:$0x50];
	_ =	sdelay $0x4  }
0x1a9: {  	v47 =	vshll.u32 v24, $0x1  }
0x1aa: {  	v24 =	vand.u32 $0x7, v24;
	v25 =	vand.u32 $0xFFFFFFF0, v47  }
0x1ab: {  	v24 =	vor.u32 v24, v25  }
0x1ac: {  	v25 =	vperm.xlane v24, v0;
	_ =	sdelay $0x1  }
0x1ad: {  	v24 =	vperm.xlane v24, v2;
	v25 =	vadd.s32 v1, v25;
	_ =	sdelay $0x1  }
0x1ae: {  	v24 =	vadd.s32 v1, v24;
	_ =	sdelay $0x2  }
0x1af: {  	[tilespmem:s25], [sflag:$0x1] =	stream.indirect_vreg.gather [hbm4b:s1+s8], $0x80, v25, vm0, $0xb8;
	[tilespmem:$0x8100] =	vst v63  }
0x1b0: {  	_ = 	snop  }
0x1b1: {  	[tilespmem:s26], [sflag:$0x1] =	stream.indirect_vreg.gather [hbm4b:s1+s8], $0x80, v24, vm0, $0xb8;
	[tilespmem:$0x8100] =	vst v63  }
0x1b2: {  	v24 =	vld [tilespmem:$0x60];
	_ =	sdelay $0x4  }
0x1b3: {  	v11 =	vadd.f32 v12, v11;
	v9 =	vmul.f32 v9, v9;
	v12 =	vshll.u32 v24, $0x1  }
0x1b4: {  	v24 =	vand.u32 $0x7, v24;
	v12 =	vand.u32 $0xFFFFFFF0, v12  }
0x1b5: {  	v9 =	vadd.f32 v9, v11;
	v8 =	vmul.f32 v8, v8;
	v11 =	vor.u32 v24, v12  }
0x1b6: {  	v12 =	vperm.xlane v11, v0  }
0x1b7: {  	v8 =	vadd.f32 v8, v9;
	v9 =	vmul.f32 v10, v10  }
0x1b8: {  	v11 =	vperm.xlane v11, v2;
	v10 =	vadd.s32 v1, v12  }
0x1b9: {  	v8 =	vadd.f32 v9, v8;
	v9 =	vmul.f32 v13, v13  }
0x1ba: {  	v11 =	vadd.s32 v1, v11  }
0x1bb: {  	v8 =	vadd.f32 v9, v8;
	v9 =	vmul.f32 v14, v14;
	_ =	sdelay $0x1  }
0x1bc: {  	v8 =	vadd.f32 v9, v8;
	v9 =	vmul.f32 v15, v15;
	[tilespmem:s28], [sflag:$0x1] =	stream.indirect_vreg.gather [hbm4b:s1+s8], $0x80, v10, vm0, $0xb8;
	[tilespmem:$0x8100] =	vst v63  }
0x1bd: {  	_ = 	snop  }
0x1be: {  	v8 =	vadd.f32 v9, v8;
	v9 =	vmul.f32 v16, v16;
	[tilespmem:s29], [sflag:$0x1] =	stream.indirect_vreg.gather [hbm4b:s1+s8], $0x80, v11, vm0, $0xb8;
	[tilespmem:$0x8100] =	vst v63  }
0x1bf: {  	v10 =	vld [tilespmem:$0x70]  }
0x1c0: {  	v8 =	vadd.f32 v9, v8;
	v9 =	vmul.f32 v17, v17;
	_ =	sdelay $0x1  }
0x1c1: {  	v8 =	vadd.f32 v9, v8;
	v9 =	vmul.f32 v18, v18;
	_ =	sdelay $0x1  }
0x1c2: {  	v8 =	vadd.f32 v9, v8;
	v9 =	vmul.f32 v19, v19;
	v11 =	vshll.u32 v10, $0x1  }
0x1c3: {  	v10 =	vand.u32 $0x7, v10;
	v11 =	vand.u32 $0xFFFFFFF0, v11  }
0x1c4: {  	v8 =	vadd.f32 v9, v8;
	v9 =	vmul.f32 v20, v20;
	v10 =	vor.u32 v10, v11  }
0x1c5: {  	v11 =	vperm.xlane v10, v0  }
0x1c6: {  	v8 =	vadd.f32 v9, v8  }
0x1c7: {  	v9 =	vmul.f32 v21, v21;
	v10 =	vperm.xlane v10, v2;
	v11 =	vadd.s32 v1, v11;
	_ =	sdelay $0x1  }
0x1c8: {  	v8 =	vadd.f32 v9, v8;
	v9 =	vmul.f32 v22, v22;
	v10 =	vadd.s32 v1, v10;
	_ =	sdelay $0x1  }
0x1c9: {  	v8 =	vadd.f32 v9, v8;
	v9 =	vmul.f32 v23, v23  }
0x1ca: {  	[tilespmem:s30], [sflag:$0x1] =	stream.indirect_vreg.gather [hbm4b:s1+s8], $0x80, v11, vm0, $0xb8;
	[tilespmem:$0x8100] =	vst v63  }
0x1cb: {  	v7 =	vmul.f32 v7, v7;
	v8 =	vadd.f32 v9, v8  }
0x1cc: {  	[tilespmem:s31], [sflag:$0x1] =	stream.indirect_vreg.gather [hbm4b:s1+s8], $0x80, v10, vm0, $0xb8;
	[tilespmem:$0x8100] =	vst v63  }
0x1cd: {  	v6 =	vmul.f32 v6, v6;
	v7 =	vadd.f32 v7, v8;
	_ =	swait.ge [sflag:s0], $0x8000  }
0x1ce: {  	s7 =	sand.u32 $0x7800, s8;
	s4 =	sand.u32 $0x380, s8;
	[sflag:s0] =	ssyncset.done $0x0  }
0x1cf: {  	s6 =	sor.u32 s4, s7;
	v5 =	vmul.f32 v5, v5;
	v6 =	vadd.f32 v6, v7;
	[sflag:s0] =	ssyncadd.s32 $0xFFFF8000  }
0x1d0: {  	v7 =	vld [tilespmem:s6+$0x80]  }
0x1d1: {  	v4 =	vmul.f32 v4, v4;
	v5 =	vadd.f32 v5, v6  }
0x1d2: {  	v6 =	vld [tilespmem:s6+$0x90]  }
0x1d3: {  	v3 =	vmul.f32 v3, v3;
	v4 =	vadd.f32 v4, v5  }
0x1d4: {  	v48 =	vld [tilespmem:s6+$0xA0]  }
0x1d5: {  	v3 =	vadd.f32 v3, v4;
	v49 =	vmul.f32 v7, v7  }
0x1d6: {  	v7 =	vld [tilespmem:s6+$0xB0]  }
0x1d7: {  	v50 =	vmul.f32 v6, v6;
	v3 =	vadd.f32 v49, v3  }
0x1d8: {  	v6 =	vld [tilespmem:s6+$0xC0]  }
0x1d9: {  	v51 =	vmul.f32 v48, v48;
	v3 =	vadd.f32 v50, v3  }
0x1da: {  	v52 =	vld [tilespmem:s6+$0xD0]  }
0x1db: {  	v53 =	vmul.f32 v7, v7;
	v3 =	vadd.f32 v51, v3  }
0x1dc: {  	v7 =	vld [tilespmem:s6+$0xE0]  }
0x1dd: {  	v54 =	vmul.f32 v6, v6;
	v3 =	vadd.f32 v53, v3  }
0x1de: {  	v6 =	vld [tilespmem:s6+$0xF0]  }
0x1df: {  	v55 =	vmul.f32 v52, v52;
	v3 =	vadd.f32 v54, v3  }
0x1e0: {  	v56 =	vld [tilespmem:s6+$0x480]  }
0x1e1: {  	v57 =	vmul.f32 v7, v7;
	v3 =	vadd.f32 v55, v3  }
0x1e2: {  	v7 =	vld [tilespmem:s6+$0x490]  }
0x1e3: {  	v58 =	vmul.f32 v6, v6;
	v3 =	vadd.f32 v57, v3  }
0x1e4: {  	v6 =	vld [tilespmem:s6+$0x4A0]  }
0x1e5: {  	v59 =	vmul.f32 v56, v56;
	v3 =	vadd.f32 v58, v3  }
0x1e6: {  	v60 =	vld [tilespmem:s6+$0x4B0]  }
0x1e7: {  	v61 =	vmul.f32 v7, v7;
	v3 =	vadd.f32 v59, v3  }
0x1e8: {  	v7 =	vld [tilespmem:s6+$0x4C0]  }
0x1e9: {  	v62 =	vmul.f32 v6, v6;
	v3 =	vadd.f32 v61, v3  }
0x1ea: {  	v9 =	vld [tilespmem:s6+$0x4D0]  }
0x1eb: {  	v63 =	vmul.f32 v60, v60;
	v3 =	vadd.f32 v62, v3  }
0x1ec: {  	v8 =	vld [tilespmem:s6+$0x4E0]  }
0x1ed: {  	s4 =	simm.s32 $0x80;
	s8 =	simm.s32 $0x100;
	v12 =	vmul.f32 v7, v7;
	v11 =	vadd.f32 v63, v3  }
0x1ee: {  	s5 =	simm.s32 $0x200;
	s7 =	sand.u32 $0x7800, s8;
	s8 =	sand.u32 $0x380, s4;
	v10 =	vld [tilespmem:s6+$0x4F0]  }
.LBB2_6:
0x1ef: {  	p0 =	sne.s32 s5, $0x7F00;
	s6 =	sor.u32 s8, s7;
	v3 =	vadd.f32 v12, v11;
	v4 =	vmul.f32 v9, v9  }
0x1f0: {  	v5 =	vld [tilespmem:s6+$0x80]  }
0x1f1: {  	v3 =	vadd.f32 v4, v3;
	v4 =	vmul.f32 v8, v8  }
0x1f2: {  	v6 =	vld [tilespmem:s6+$0x90]  }
0x1f3: {  	v3 =	vadd.f32 v4, v3;
	v4 =	vmul.f32 v10, v10  }
0x1f4: {  	v7 =	vld [tilespmem:s6+$0xA0]  }
0x1f5: {  	v5 =	vmul.f32 v5, v5;
	v3 =	vadd.f32 v4, v3  }
0x1f6: {  	v4 =	vld [tilespmem:s6+$0xB0]  }
0x1f7: {  	v3 =	vadd.f32 v5, v3;
	v5 =	vmul.f32 v6, v6  }
0x1f8: {  	v6 =	vld [tilespmem:s6+$0xC0]  }
0x1f9: {  	v3 =	vadd.f32 v5, v3;
	v5 =	vmul.f32 v7, v7  }
0x1fa: {  	v7 =	vld [tilespmem:s6+$0xD0]  }
0x1fb: {  	v3 =	vadd.f32 v5, v3;
	v4 =	vmul.f32 v4, v4  }
0x1fc: {  	v5 =	vld [tilespmem:s6+$0xE0]  }
0x1fd: {  	v3 =	vadd.f32 v4, v3;
	v4 =	vmul.f32 v6, v6  }
0x1fe: {  	v6 =	vld [tilespmem:s6+$0xF0]  }
0x1ff: {  	v3 =	vadd.f32 v4, v3;
	v4 =	vmul.f32 v7, v7  }
0x200: {  	v7 =	vld [tilespmem:s6+$0x480]  }
0x201: {  	v3 =	vadd.f32 v4, v3;
	v4 =	vmul.f32 v5, v5  }
0x202: {  	v5 =	vld [tilespmem:s6+$0x490]  }
0x203: {  	v3 =	vadd.f32 v4, v3;
	v4 =	vmul.f32 v6, v6  }
0x204: {  	v6 =	vld [tilespmem:s6+$0x4A0]  }
0x205: {  	v3 =	vadd.f32 v4, v3;
	v4 =	vmul.f32 v7, v7  }
0x206: {  	v7 =	vld [tilespmem:s6+$0x4B0]  }
0x207: {  	v3 =	vadd.f32 v4, v3;
	v4 =	vmul.f32 v5, v5  }
0x208: {  	v5 =	vld [tilespmem:s6+$0x4C0]  }
0x209: {  	v3 =	vadd.f32 v4, v3;
	v4 =	vmul.f32 v6, v6  }
.Ltmp2:
0x20a: {  	v9 =	vld [tilespmem:s6+$0x4D0];
	(pc) =	sbr.rel @p0 .LBB2_6-.Ltmp2, $4  }
0x20b: {  	v3 =	vadd.f32 v4, v3;
	v4 =	vmul.f32 v7, v7  }
0x20c: {  	v8 =	vld [tilespmem:s6+$0x4E0]  }
0x20d: {  	s4 =	sadd.s32 $0x80, s4;
	v11 =	vadd.f32 v4, v3;
	v12 =	vmul.f32 v5, v5  }
0x20e: {  	s7 =	sand.u32 $0x7800, s5;
	s5 =	sadd.s32 $0x100, s5;
	s8 =	sand.u32 $0x380, s4;
	v10 =	vld [tilespmem:s6+$0x4F0]  }
0x20f: {  	s4 =	sor.u32 s8, s7  }
0x210: {  	v13 =	vld [tilespmem:s4+$0x80]  }
0x211: {  	v14 =	vld [tilespmem:s4+$0x90]  }
0x212: {  	v15 =	vld [tilespmem:s4+$0xA0]  }
0x213: {  	v16 =	vld [tilespmem:s4+$0xB0]  }
0x214: {  	v17 =	vld [tilespmem:s4+$0xC0]  }
0x215: {  	v18 =	vld [tilespmem:s4+$0xD0]  }
0x216: {  	v19 =	vld [tilespmem:s4+$0xE0]  }
0x217: {  	v20 =	vld [tilespmem:s4+$0xF0]  }
0x218: {  	v21 =	vld [tilespmem:s4+$0x480]  }
0x219: {  	v22 =	vld [tilespmem:s4+$0x490]  }
0x21a: {  	v23 =	vld [tilespmem:s4+$0x4A0]  }
0x21b: {  	v7 =	vld [tilespmem:s4+$0x4B0]  }
0x21c: {  	v6 =	vld [tilespmem:s4+$0x4C0]  }
0x21d: {  	v5 =	vld [tilespmem:s4+$0x4D0]  }
0x21e: {  	s7 =	simm.s32 $0x0;
	v4 =	vld [tilespmem:s4+$0x4E0]  }
0x21f: {  	v3 =	vld [tilespmem:s4+$0x4F0];
	[hbm4b:s9+s7] =	stream.linear.scatter [tilespmem:s15], [sflag:$0x2], $0x8000, $0x38  }
0x220: {  	_ =	swait.ge [sflag:s14], $0x8000  }
0x221: {  	[sflag:s14] =	ssyncset.done $0x0  }
0x222: {  	[sflag:s14] =	ssyncadd.s32 $0xFFFF8000  }
0x223: {  	[tilespmem:s7], [sflag:$0x2] =	stream.linear.gather [hbm4b:s10+s7], $0x80, $0x38;
	[tilespmem:$0x8100] =	vst v63  }
0x224: {  	_ =	swait.ge [sflag:s14], $0x80  }
0x225: {  	[sflag:s14] =	ssyncset.done $0x0  }
0x226: {  	[sflag:s14] =	ssyncadd.s32 $0xFFFFFF80  }
0x227: {  	v24 =	vld [tilespmem:$0x0];
	_ =	sdelay $0x4  }
0x228: {  	v25 =	vshll.u32 v24, $0x1  }
0x229: {  	v24 =	vand.u32 $0x7, v24;
	v25 =	vand.u32 $0xFFFFFFF0, v25  }
0x22a: {  	v24 =	vor.u32 v24, v25  }
0x22b: {  	v25 =	vperm.xlane v24, v0;
	_ =	sdelay $0x1  }
0x22c: {  	v24 =	vperm.xlane v24, v2;
	v25 =	vadd.s32 v1, v25;
	_ =	sdelay $0x1  }
0x22d: {  	v24 =	vadd.s32 v1, v24;
	_ =	sdelay $0x2  }
0x22e: {  	[tilespmem:s15], [sflag:$0x1] =	stream.indirect_vreg.gather [hbm4b:s1+s7], $0x80, v25, vm0, $0xb8;
	[tilespmem:$0x8100] =	vst v63  }
0x22f: {  	_ = 	snop  }
0x230: {  	[tilespmem:s16], [sflag:$0x1] =	stream.indirect_vreg.gather [hbm4b:s1+s7], $0x80, v24, vm0, $0xb8;
	[tilespmem:$0x8100] =	vst v63  }
0x231: {  	v24 =	vld [tilespmem:$0x10];
	_ =	sdelay $0x4  }
0x232: {  	v43 =	vshll.u32 v24, $0x1  }
0x233: {  	v24 =	vand.u32 $0x7, v24;
	v25 =	vand.u32 $0xFFFFFFF0, v43  }
0x234: {  	v24 =	vor.u32 v24, v25  }
0x235: {  	v25 =	vperm.xlane v24, v0;
	_ =	sdelay $0x1  }
0x236: {  	v24 =	vperm.xlane v24, v2;
	v25 =	vadd.s32 v1, v25;
	_ =	sdelay $0x1  }
0x237: {  	v24 =	vadd.s32 v1, v24;
	_ =	sdelay $0x2  }
0x238: {  	[tilespmem:s17], [sflag:$0x1] =	stream.indirect_vreg.gather [hbm4b:s1+s7], $0x80, v25, vm0, $0xb8;
	[tilespmem:$0x8100] =	vst v63  }
0x239: {  	_ = 	snop  }
0x23a: {  	[tilespmem:s18], [sflag:$0x1] =	stream.indirect_vreg.gather [hbm4b:s1+s7], $0x80, v24, vm0, $0xb8;
	[tilespmem:$0x8100] =	vst v63  }
0x23b: {  	v24 =	vld [tilespmem:$0x20];
	_ =	sdelay $0x4  }
0x23c: {  	v44 =	vshll.u32 v24, $0x1  }
0x23d: {  	v24 =	vand.u32 $0x7, v24;
	v25 =	vand.u32 $0xFFFFFFF0, v44  }
0x23e: {  	v24 =	vor.u32 v24, v25  }
0x23f: {  	v25 =	vperm.xlane v24, v0;
	_ =	sdelay $0x1  }
0x240: {  	v24 =	vperm.xlane v24, v2;
	v25 =	vadd.s32 v1, v25;
	_ =	sdelay $0x1  }
0x241: {  	v24 =	vadd.s32 v1, v24;
	_ =	sdelay $0x2  }
0x242: {  	[tilespmem:s19], [sflag:$0x1] =	stream.indirect_vreg.gather [hbm4b:s1+s7], $0x80, v25, vm0, $0xb8;
	[tilespmem:$0x8100] =	vst v63  }
0x243: {  	_ = 	snop  }
0x244: {  	[tilespmem:s20], [sflag:$0x1] =	stream.indirect_vreg.gather [hbm4b:s1+s7], $0x80, v24, vm0, $0xb8;
	[tilespmem:$0x8100] =	vst v63  }
0x245: {  	v24 =	vld [tilespmem:$0x30];
	_ =	sdelay $0x4  }
0x246: {  	v45 =	vshll.u32 v24, $0x1  }
0x247: {  	v24 =	vand.u32 $0x7, v24;
	v25 =	vand.u32 $0xFFFFFFF0, v45  }
0x248: {  	v24 =	vor.u32 v24, v25  }
0x249: {  	v25 =	vperm.xlane v24, v0;
	_ =	sdelay $0x1  }
0x24a: {  	v24 =	vperm.xlane v24, v2;
	v25 =	vadd.s32 v1, v25;
	_ =	sdelay $0x1  }
0x24b: {  	v24 =	vadd.s32 v1, v24;
	_ =	sdelay $0x2  }
0x24c: {  	[tilespmem:s21], [sflag:$0x1] =	stream.indirect_vreg.gather [hbm4b:s1+s7], $0x80, v25, vm0, $0xb8;
	[tilespmem:$0x8100] =	vst v63  }
0x24d: {  	_ = 	snop  }
0x24e: {  	[tilespmem:s22], [sflag:$0x1] =	stream.indirect_vreg.gather [hbm4b:s1+s7], $0x80, v24, vm0, $0xb8;
	[tilespmem:$0x8100] =	vst v63  }
0x24f: {  	v24 =	vld [tilespmem:$0x40];
	_ =	sdelay $0x4  }
0x250: {  	v46 =	vshll.u32 v24, $0x1  }
0x251: {  	v24 =	vand.u32 $0x7, v24;
	v25 =	vand.u32 $0xFFFFFFF0, v46  }
0x252: {  	v24 =	vor.u32 v24, v25  }
0x253: {  	v25 =	vperm.xlane v24, v0;
	_ =	sdelay $0x1  }
0x254: {  	v24 =	vperm.xlane v24, v2;
	v25 =	vadd.s32 v1, v25;
	_ =	sdelay $0x1  }
0x255: {  	v24 =	vadd.s32 v1, v24;
	_ =	sdelay $0x2  }
0x256: {  	[tilespmem:s23], [sflag:$0x1] =	stream.indirect_vreg.gather [hbm4b:s1+s7], $0x80, v25, vm0, $0xb8;
	[tilespmem:$0x8100] =	vst v63  }
0x257: {  	_ = 	snop  }
0x258: {  	[tilespmem:s24], [sflag:$0x1] =	stream.indirect_vreg.gather [hbm4b:s1+s7], $0x80, v24, vm0, $0xb8;
	[tilespmem:$0x8100] =	vst v63  }
0x259: {  	v24 =	vld [tilespmem:$0x50];
	_ =	sdelay $0x4  }
0x25a: {  	v47 =	vshll.u32 v24, $0x1  }
0x25b: {  	v24 =	vand.u32 $0x7, v24;
	v25 =	vand.u32 $0xFFFFFFF0, v47  }
0x25c: {  	v24 =	vor.u32 v24, v25  }
0x25d: {  	v25 =	vperm.xlane v24, v0;
	_ =	sdelay $0x1  }
0x25e: {  	v24 =	vperm.xlane v24, v2;
	v25 =	vadd.s32 v1, v25;
	_ =	sdelay $0x1  }
0x25f: {  	v24 =	vadd.s32 v1, v24;
	_ =	sdelay $0x2  }
0x260: {  	[tilespmem:s25], [sflag:$0x1] =	stream.indirect_vreg.gather [hbm4b:s1+s7], $0x80, v25, vm0, $0xb8;
	[tilespmem:$0x8100] =	vst v63  }
0x261: {  	_ = 	snop  }
0x262: {  	[tilespmem:s26], [sflag:$0x1] =	stream.indirect_vreg.gather [hbm4b:s1+s7], $0x80, v24, vm0, $0xb8;
	[tilespmem:$0x8100] =	vst v63  }
0x263: {  	v24 =	vld [tilespmem:$0x60];
	_ =	sdelay $0x4  }
0x264: {  	v11 =	vadd.f32 v12, v11;
	v9 =	vmul.f32 v9, v9;
	v48 =	vshll.u32 v24, $0x1  }
0x265: {  	v24 =	vand.u32 $0x7, v24;
	v12 =	vand.u32 $0xFFFFFFF0, v48  }
0x266: {  	v9 =	vadd.f32 v9, v11;
	v8 =	vmul.f32 v8, v8;
	v49 =	vor.u32 v24, v12  }
0x267: {  	v12 =	vperm.xlane v49, v0  }
0x268: {  	v8 =	vadd.f32 v8, v9  }
0x269: {  	v50 =	vmul.f32 v10, v10;
	v11 =	vperm.xlane v49, v2;
	v51 =	vadd.s32 v1, v12;
	_ =	sdelay $0x1  }
0x26a: {  	v8 =	vadd.f32 v50, v8;
	v52 =	vmul.f32 v13, v13;
	v11 =	vadd.s32 v1, v11;
	_ =	sdelay $0x1  }
0x26b: {  	v53 =	vmul.f32 v14, v14;
	v8 =	vadd.f32 v52, v8  }
0x26c: {  	[tilespmem:s28], [sflag:$0x1] =	stream.indirect_vreg.gather [hbm4b:s1+s7], $0x80, v51, vm0, $0xb8;
	[tilespmem:$0x8100] =	vst v63  }
0x26d: {  	v54 =	vmul.f32 v15, v15;
	v8 =	vadd.f32 v53, v8  }
0x26e: {  	[tilespmem:s29], [sflag:$0x1] =	stream.indirect_vreg.gather [hbm4b:s1+s7], $0x80, v11, vm0, $0xb8;
	[tilespmem:$0x8100] =	vst v63  }
0x26f: {  	v55 =	vmul.f32 v16, v16;
	v8 =	vadd.f32 v54, v8;
	v10 =	vld [tilespmem:$0x70];
	_ =	sdelay $0x1  }
0x270: {  	v56 =	vmul.f32 v17, v17;
	v8 =	vadd.f32 v55, v8;
	_ =	sdelay $0x1  }
0x271: {  	v57 =	vmul.f32 v18, v18;
	v8 =	vadd.f32 v56, v8  }
0x272: {  	v58 =	vmul.f32 v19, v19;
	v59 =	vshll.u32 v10, $0x1  }
0x273: {  	v8 =	vadd.f32 v57, v8;
	v10 =	vand.u32 $0x7, v10;
	v11 =	vand.u32 $0xFFFFFFF0, v59  }
0x274: {  	v10 =	vor.u32 v10, v11  }
0x275: {  	v60 =	vmul.f32 v20, v20;
	v8 =	vadd.f32 v58, v8;
	v11 =	vperm.xlane v10, v0  }
0x276: {  	v61 =	vmul.f32 v21, v21  }
0x277: {  	v8 =	vadd.f32 v60, v8;
	v10 =	vperm.xlane v10, v2;
	v11 =	vadd.s32 v1, v11;
	_ =	sdelay $0x1  }
0x278: {  	v62 =	vmul.f32 v22, v22;
	v8 =	vadd.f32 v61, v8;
	v10 =	vadd.s32 v1, v10;
	_ =	sdelay $0x1  }
0x279: {  	v63 =	vmul.f32 v23, v23;
	v8 =	vadd.f32 v62, v8  }
0x27a: {  	[tilespmem:s30], [sflag:$0x1] =	stream.indirect_vreg.gather [hbm4b:s1+s7], $0x80, v11, vm0, $0xb8;
	[tilespmem:$0x8100] =	vst v63  }
0x27b: {  	v7 =	vmul.f32 v7, v7;
	v8 =	vadd.f32 v63, v8  }
0x27c: {  	[tilespmem:s31], [sflag:$0x1] =	stream.indirect_vreg.gather [hbm4b:s1+s7], $0x80, v10, vm0, $0xb8;
	[tilespmem:$0x8100] =	vst v63  }
0x27d: {  	v6 =	vmul.f32 v6, v6;
	v7 =	vadd.f32 v7, v8;
	_ =	swait.ge [sflag:s0], $0x8000  }
0x27e: {  	s5 =	sand.u32 $0x7800, s7;
	s4 =	sand.u32 $0x380, s7;
	[sflag:s0] =	ssyncset.done $0x0  }
0x27f: {  	s6 =	sor.u32 s4, s5;
	v5 =	vmul.f32 v5, v5;
	v6 =	vadd.f32 v6, v7;
	[sflag:s0] =	ssyncadd.s32 $0xFFFF8000  }
0x280: {  	v7 =	vld [tilespmem:s6+$0x80]  }
0x281: {  	v4 =	vmul.f32 v4, v4;
	v5 =	vadd.f32 v5, v6  }
0x282: {  	v6 =	vld [tilespmem:s6+$0x90]  }
0x283: {  	v3 =	vmul.f32 v3, v3;
	v4 =	vadd.f32 v4, v5  }
0x284: {  	v5 =	vld [tilespmem:s6+$0xA0]  }
0x285: {  	v3 =	vadd.f32 v3, v4;
	v4 =	vmul.f32 v7, v7  }
0x286: {  	v7 =	vld [tilespmem:s6+$0xB0]  }
0x287: {  	v3 =	vadd.f32 v4, v3;
	v4 =	vmul.f32 v6, v6  }
0x288: {  	v6 =	vld [tilespmem:s6+$0xC0]  }
0x289: {  	v3 =	vadd.f32 v4, v3;
	v4 =	vmul.f32 v5, v5  }
0x28a: {  	v5 =	vld [tilespmem:s6+$0xD0]  }
0x28b: {  	v3 =	vadd.f32 v4, v3;
	v4 =	vmul.f32 v7, v7  }
0x28c: {  	v7 =	vld [tilespmem:s6+$0xE0]  }
0x28d: {  	v3 =	vadd.f32 v4, v3;
	v4 =	vmul.f32 v6, v6  }
0x28e: {  	v6 =	vld [tilespmem:s6+$0xF0]  }
0x28f: {  	v3 =	vadd.f32 v4, v3;
	v4 =	vmul.f32 v5, v5  }
0x290: {  	v5 =	vld [tilespmem:s6+$0x480]  }
0x291: {  	v3 =	vadd.f32 v4, v3;
	v4 =	vmul.f32 v7, v7  }
0x292: {  	v7 =	vld [tilespmem:s6+$0x490]  }
0x293: {  	v3 =	vadd.f32 v4, v3;
	v4 =	vmul.f32 v6, v6  }
0x294: {  	v6 =	vld [tilespmem:s6+$0x4A0]  }
0x295: {  	v3 =	vadd.f32 v4, v3;
	v4 =	vmul.f32 v5, v5  }
0x296: {  	v5 =	vld [tilespmem:s6+$0x4B0]  }
0x297: {  	v3 =	vadd.f32 v4, v3;
	v4 =	vmul.f32 v7, v7  }
0x298: {  	v7 =	vld [tilespmem:s6+$0x4C0]  }
0x299: {  	v6 =	vmul.f32 v6, v6;
	v4 =	vadd.f32 v4, v3  }
0x29a: {  	v3 =	vld [tilespmem:s6+$0x4D0]  }
0x29b: {  	v5 =	vmul.f32 v5, v5;
	v6 =	vadd.f32 v6, v4  }
0x29c: {  	v4 =	vld [tilespmem:s6+$0x4E0]  }
0x29d: {  	s8 =	simm.s32 $0x100;
	s4 =	simm.s32 $0x80;
	v7 =	vmul.f32 v7, v7;
	v6 =	vadd.f32 v5, v6  }
0x29e: {  	s5 =	simm.s32 $0x200;
	s7 =	sand.u32 $0x7800, s8;
	s8 =	sand.u32 $0x380, s4;
	v5 =	vld [tilespmem:s6+$0x4F0]  }
.LBB2_8:
0x29f: {  	p0 =	sne.s32 s5, $0x7F00;
	s6 =	sor.u32 s8, s7;
	v6 =	vadd.f32 v7, v6;
	v3 =	vmul.f32 v3, v3  }
0x2a0: {  	v7 =	vld [tilespmem:s6+$0x80]  }
0x2a1: {  	v3 =	vadd.f32 v3, v6;
	v4 =	vmul.f32 v4, v4  }
0x2a2: {  	v6 =	vld [tilespmem:s6+$0x90]  }
0x2a3: {  	v3 =	vadd.f32 v4, v3;
	v4 =	vmul.f32 v5, v5  }
0x2a4: {  	v5 =	vld [tilespmem:s6+$0xA0]  }
0x2a5: {  	v7 =	vmul.f32 v7, v7;
	v3 =	vadd.f32 v4, v3  }
0x2a6: {  	v4 =	vld [tilespmem:s6+$0xB0]  }
0x2a7: {  	v3 =	vadd.f32 v7, v3;
	v6 =	vmul.f32 v6, v6  }
0x2a8: {  	v7 =	vld [tilespmem:s6+$0xC0]  }
0x2a9: {  	v3 =	vadd.f32 v6, v3;
	v5 =	vmul.f32 v5, v5  }
0x2aa: {  	v6 =	vld [tilespmem:s6+$0xD0]  }
0x2ab: {  	v3 =	vadd.f32 v5, v3;
	v4 =	vmul.f32 v4, v4  }
0x2ac: {  	v5 =	vld [tilespmem:s6+$0xE0]  }
0x2ad: {  	v3 =	vadd.f32 v4, v3;
	v4 =	vmul.f32 v7, v7  }
0x2ae: {  	v7 =	vld [tilespmem:s6+$0xF0]  }
0x2af: {  	v3 =	vadd.f32 v4, v3;
	v4 =	vmul.f32 v6, v6  }
0x2b0: {  	v6 =	vld [tilespmem:s6+$0x480]  }
0x2b1: {  	v3 =	vadd.f32 v4, v3;
	v4 =	vmul.f32 v5, v5  }
0x2b2: {  	v5 =	vld [tilespmem:s6+$0x490]  }
0x2b3: {  	v3 =	vadd.f32 v4, v3;
	v4 =	vmul.f32 v7, v7  }
0x2b4: {  	v7 =	vld [tilespmem:s6+$0x4A0]  }
0x2b5: {  	v3 =	vadd.f32 v4, v3;
	v4 =	vmul.f32 v6, v6  }
0x2b6: {  	v6 =	vld [tilespmem:s6+$0x4B0]  }
0x2b7: {  	v3 =	vadd.f32 v4, v3;
	v4 =	vmul.f32 v5, v5  }
0x2b8: {  	v5 =	vld [tilespmem:s6+$0x4C0]  }
0x2b9: {  	v4 =	vadd.f32 v4, v3;
	v7 =	vmul.f32 v7, v7  }
.Ltmp3:
0x2ba: {  	v3 =	vld [tilespmem:s6+$0x4D0];
	(pc) =	sbr.rel @p0 .LBB2_8-.Ltmp3, $4  }
0x2bb: {  	v7 =	vadd.f32 v7, v4;
	v6 =	vmul.f32 v6, v6  }
0x2bc: {  	v4 =	vld [tilespmem:s6+$0x4E0]  }
0x2bd: {  	s4 =	sadd.s32 $0x80, s4;
	v6 =	vadd.f32 v6, v7;
	v7 =	vmul.f32 v5, v5  }
0x2be: {  	s7 =	sand.u32 $0x7800, s5;
	s5 =	sadd.s32 $0x100, s5;
	s8 =	sand.u32 $0x380, s4;
	v5 =	vld [tilespmem:s6+$0x4F0]  }
0x2bf: {  	s4 =	sor.u32 s8, s7;
	v6 =	vadd.f32 v7, v6;
	v3 =	vmul.f32 v3, v3  }
0x2c0: {  	v35 =	vld [tilespmem:s4+$0x80]  }
0x2c1: {  	v3 =	vadd.f32 v3, v6;
	v4 =	vmul.f32 v4, v4  }
0x2c2: {  	v36 =	vld [tilespmem:s4+$0x90]  }
0x2c3: {  	v3 =	vadd.f32 v4, v3;
	v37 =	vmul.f32 v5, v5  }
0x2c4: {  	v38 =	vld [tilespmem:s4+$0xA0]  }
0x2c5: {  	v7 =	vmul.f32 v35, v35;
	v3 =	vadd.f32 v37, v3  }
0x2c6: {  	v39 =	vld [tilespmem:s4+$0xB0]  }
0x2c7: {  	v6 =	vmul.f32 v36, v36;
	v3 =	vadd.f32 v7, v3  }
0x2c8: {  	v40 =	vld [tilespmem:s4+$0xC0]  }
0x2c9: {  	v5 =	vmul.f32 v38, v38;
	v3 =	vadd.f32 v6, v3  }
0x2ca: {  	v41 =	vld [tilespmem:s4+$0xD0]  }
0x2cb: {  	v4 =	vmul.f32 v39, v39;
	v3 =	vadd.f32 v5, v3  }
0x2cc: {  	v42 =	vld [tilespmem:s4+$0xE0]  }
0x2cd: {  	v43 =	vmul.f32 v40, v40;
	v3 =	vadd.f32 v4, v3  }
0x2ce: {  	v44 =	vld [tilespmem:s4+$0xF0]  }
0x2cf: {  	v45 =	vmul.f32 v41, v41;
	v3 =	vadd.f32 v43, v3  }
0x2d0: {  	v46 =	vld [tilespmem:s4+$0x480]  }
0x2d1: {  	v47 =	vmul.f32 v42, v42;
	v3 =	vadd.f32 v45, v3  }
0x2d2: {  	v48 =	vld [tilespmem:s4+$0x490]  }
0x2d3: {  	v49 =	vmul.f32 v44, v44;
	v3 =	vadd.f32 v47, v3  }
0x2d4: {  	v50 =	vld [tilespmem:s4+$0x4A0]  }
0x2d5: {  	v51 =	vmul.f32 v46, v46;
	v3 =	vadd.f32 v49, v3  }
0x2d6: {  	v52 =	vld [tilespmem:s4+$0x4B0]  }
0x2d7: {  	v53 =	vmul.f32 v48, v48;
	v3 =	vadd.f32 v51, v3  }
0x2d8: {  	v54 =	vld [tilespmem:s4+$0x4C0]  }
0x2d9: {  	v55 =	vmul.f32 v50, v50;
	v3 =	vadd.f32 v53, v3  }
0x2da: {  	v56 =	vld [tilespmem:s4+$0x4D0]  }
0x2db: {  	v57 =	vmul.f32 v52, v52;
	v3 =	vadd.f32 v55, v3  }
0x2dc: {  	v58 =	vld [tilespmem:s4+$0x4E0]  }
0x2dd: {  	v59 =	vmul.f32 v54, v54;
	v3 =	vadd.f32 v57, v3  }
0x2de: {  	v60 =	vld [tilespmem:s4+$0x4F0]  }
0x2df: {  	v61 =	vmul.f32 v56, v56;
	v3 =	vadd.f32 v59, v3;
	_ =	sdelay $0x1  }
0x2e0: {  	v62 =	vmul.f32 v58, v58;
	v3 =	vadd.f32 v61, v3;
	_ =	sdelay $0x1  }
0x2e1: {  	[hbm4b:s11+s3] =	stream.linear.scatter [tilespmem:s15], [sflag:$0x2], $0x8000, $0x38;
	v63 =	vmul.f32 v60, v60;
	v3 =	vadd.f32 v62, v3;
	[tilespmem:$0x8100] =	vst v63  }
0x2e2: {  	_ =	swait.ge [sflag:s14], $0x8000  }
0x2e3: {  	s2 =	sadd.s32 $0x1, s2;
	[sflag:s14] =	ssyncset.done $0x0;
	v3 =	vadd.f32 v63, v3  }
0x2e4: {  	p0 =	sne.s32 s2, s13;
	[sflag:s14] =	ssyncadd.s32 $0xFFFF8000  }
.Ltmp4:
0x2e5: {  	s8 =	simm.s32 $0x8080;
	[tilespmem:$0x8080] =	vst v3;
	(pc) =	sbr.rel @p0 .LBB2_1-.Ltmp4, $4  }
0x2e6: {  	[hbm4b:s12+s3] =	stream.linear.scatter [tilespmem:s8], [sflag:$0x2], $0x80, $0x38;
	[tilespmem:$0x8100] =	vst v63  }
0x2e7: {  	_ =	swait.ge [sflag:s14], $0x80  }
0x2e8: {  	[sflag:s14] =	ssyncset.done $0x0  }
0x2e9: {  	[sflag:s14] =	ssyncadd.s32 $0xFFFFFF80  }
0x2ea: {  	_ =	sfence.sel $0x180000  }
0x2eb: {  	[bflag:$0x0] =	sbarrier.arrive $0xFFFF  }
0x2ec: {  	_ =	strace $0x90000047  }
0x2ed: {  	s0 =	stileid.u32;
	[bflag:$0x2] =	sbarrier.arrive $0xFFFF  }
0x2ee: {  	p0 =	sne.s32 s0, $0x0;
	s0 =	rddreg [dreg:$0x4]  }
0x2ef: {  	s0 =	sadd.s32 @!p0 $0x100000, s0  }
0x2f0: {  	[sflag:s0] =	ssyncadd.tile.s32 @!p0 $0x1;
	_ =	shalt  }
.Lfunc_end2:
_tile_overlayer_lowered:
.L_overlay_start_2:
0x2f1: {  	(tag) =	ssettag $0x2  }
0x2f2: {  	s0 =	rddreg [dreg:$0x0];
	s2 =	stileid.u32  }
0x2f3: {  	s1 =	rddreg [dreg:$0x1];
	p0 =	sne.s32 s2, $0x0  }
0x2f4: {  	s3 =	rddreg [dreg:$0x2];
	[bflag:$0x3] =	sbarrier.arrive $0xFFFF;
	s2 =	simm.s32 @!p0 $0x1C02  }
0x2f5: {  	[timem:s3], [sflag:s2] =	dma.local @!p0 [hbm:s0], s1  }
0x2f6: {  	s0 =	simm.s32 @!p0 $0x2  }
0x2f7: {  	_ =	swait.ge @!p0 [sflag:s0], s1  }
0x2f8: {  	s1 =	ssub.s32 @!p0 $0x0, s1;
	[sflag:s0] =	ssyncset.done @!p0 $0x0  }
0x2f9: {  	[sflag:s0] =	ssyncadd.s32 @!p0 s1  }
0x2fa: {  	[bflag:$0x3] =	sbarrier.arrive $0xFFFF  }
0x2fb: {  	_ =	shalt  }

</sc_bundles>
